<compile_context>
chip_gen: v7x
topology: tpu7x:2x2x1
jax: 0.10.2.dev20260603
libtpu: 0.0.44.dev20260713+nightly
codegen_flags: <defaults>
</compile_context>

<pallas_src>
import functools

import jax
import jax.numpy as jnp
from jax import lax
from jax.experimental import pallas as pl
from jax.experimental.pallas import tpu as pltpu
from jax.experimental.pallas import tpu_sc as plsc

N = 10000
D = 128

NC = 2
NS = 16
NW = NC * NS
NP = 10240
RPT = NP // NS
CHUNK = 80

_MESH = plsc.VectorSubcoreMesh(core_axis_name="c", subcore_axis_name="s")


def _copy_idx_row(src2d, row, flat):
    for j in range(CHUNK // 16):
        flat[pl.ds(j * 16, 16)] = src2d[row, pl.ds(j * 16, 16)]


def _zero_vmem_rows(buf, nrows):
    z = jnp.zeros((16,), jnp.float32)
    ncols = buf.shape[1] // 16

    def zr(i, _):
        def zc(j, _):
            buf[i, pl.ds(j * 16, 16)] = z
            return 0
        return lax.fori_loop(0, ncols, zc, 0)

    lax.fori_loop(0, nrows, zr, 0)


def _make_deg_kernel(nchunk):
    npair = nchunk // 2

    @functools.partial(
        pl.kernel,
        out_type=jax.ShapeDtypeStruct((NC, NP, 16), jnp.float32),
        mesh=_MESH,
        scratch_types=[
            pltpu.VMEM((CHUNK,), jnp.int32),
            pltpu.VMEM((CHUNK,), jnp.int32),
            pltpu.VMEM((CHUNK, 16), jnp.float32),
            pltpu.VMEM_SHARED((NP, 16), jnp.float32),
            pltpu.SemaphoreType.DMA,
            pltpu.SemaphoreType.DMA,
        ],
    )
    def deg_kernel(dst_hbm, out_hbm, dflat0, dflat1, ones_v, deg_sh,
                   semA, semB):
        cid = lax.axis_index("c")
        sid = lax.axis_index("s")
        wid = sid * NC + cid
        base0 = wid * nchunk * CHUNK

        def idx_load(i, buf, sem):
            return pltpu.async_copy(
                dst_hbm.at[pl.ds(base0 + i * CHUNK, CHUNK)], buf, sem)

        idx_load(0, dflat0, semA)

        _zero_vmem_rows(ones_v, CHUNK)

        def zs(j, _):
            pltpu.sync_copy(ones_v, deg_sh.at[pl.ds(sid * RPT + j * CHUNK, CHUNK)])
            return 0
        lax.fori_loop(0, RPT // CHUNK, zs, 0)

        one = jnp.ones((16,), jnp.float32)

        def refill(i, _):
            ones_v[i, :] = one
            return 0
        lax.fori_loop(0, CHUNK, refill, 0)

        plsc.subcore_barrier()

        def body(p, _):
            i0 = 2 * p
            idx_load(i0 + 1, dflat1, semB)
            pltpu.make_async_copy(
                dst_hbm.at[pl.ds(base0 + i0 * CHUNK, CHUNK)],
                dflat0, semA).wait()
            pltpu.sync_copy(ones_v, deg_sh.at[dflat0], add=True)

            @pl.when(p < npair - 1)
            def _nxt():
                idx_load(i0 + 2, dflat0, semA)

            pltpu.make_async_copy(
                dst_hbm.at[pl.ds(base0 + (i0 + 1) * CHUNK, CHUNK)],
                dflat1, semB).wait()
            pltpu.sync_copy(ones_v, deg_sh.at[dflat1], add=True)
            return 0
        lax.fori_loop(0, npair, body, 0)

        plsc.subcore_barrier()
        pltpu.sync_copy(deg_sh.at[pl.ds(sid * RPT, RPT)],
                        out_hbm.at[cid, pl.ds(sid * RPT, RPT)])

    return deg_kernel


FRAC0 = 0.58


def _make_edge_kernel(nchunk):
    total_pc = nchunk * NC
    k0 = int(total_pc * FRAC0) // 2 * 2
    k1 = total_pc - k0

    @functools.partial(
        pl.kernel,
        out_type=jax.ShapeDtypeStruct((NC, NP, D), jnp.float32),
        mesh=_MESH,
        scratch_types=[
            pltpu.VMEM((CHUNK,), jnp.int32),
            pltpu.VMEM((CHUNK,), jnp.int32),
            pltpu.VMEM((CHUNK,), jnp.int32),
            pltpu.VMEM((CHUNK,), jnp.int32),
            pltpu.VMEM((CHUNK, D), jnp.float32),
            pltpu.VMEM_SHARED((NP, D), jnp.float32),
            pltpu.SemaphoreType.DMA,
            pltpu.SemaphoreType.DMA,
            pltpu.SemaphoreType.DMA,
        ],
    )
    def edge_kernel(mp_hbm, src_hbm, dst_hbm, out_hbm,
                    sflat0, sflat1, dflat0, dflat1, rows, agg_sh,
                    semA, semB, sem0):
        cid = lax.axis_index("c")
        sid = lax.axis_index("s")
        base0 = jnp.where(cid == 0, sid * k0, NS * k0 + sid * k1) * CHUNK
        npair = jnp.where(cid == 0, k0 // 2, k1 // 2)

        def idx_load(i, sbuf, dbuf, sem):
            pltpu.async_copy(src_hbm.at[pl.ds(base0 + i * CHUNK, CHUNK)],
                             sbuf, sem)
            pltpu.async_copy(dst_hbm.at[pl.ds(base0 + i * CHUNK, CHUNK)],
                             dbuf, sem)

        def idx_wait(i, sbuf, dbuf, sem):
            pltpu.make_async_copy(src_hbm.at[pl.ds(base0 + i * CHUNK, CHUNK)],
                                  sbuf, sem).wait()
            pltpu.make_async_copy(dst_hbm.at[pl.ds(base0 + i * CHUNK, CHUNK)],
                                  dbuf, sem).wait()

        idx_load(0, sflat0, dflat0, semA)

        _zero_vmem_rows(rows, CHUNK)

        def zs(j, _):
            pltpu.sync_copy(rows, agg_sh.at[pl.ds(sid * RPT + j * CHUNK, CHUNK)])
            return 0
        lax.fori_loop(0, RPT // CHUNK, zs, 0)

        plsc.subcore_barrier()

        def body(p, _):
            i0 = 2 * p
            idx_load(i0 + 1, sflat1, dflat1, semB)
            idx_wait(i0, sflat0, dflat0, semA)
            pltpu.async_copy(mp_hbm.at[sflat0], rows, sem0).wait()
            pltpu.sync_copy(rows, agg_sh.at[dflat0], add=True)

            @pl.when(p < npair - 1)
            def _nxt():
                idx_load(i0 + 2, sflat0, dflat0, semA)

            idx_wait(i0 + 1, sflat1, dflat1, semB)
            pltpu.async_copy(mp_hbm.at[sflat1], rows, sem0).wait()
            pltpu.sync_copy(rows, agg_sh.at[dflat1], add=True)
            return 0
        lax.fori_loop(0, npair, body, 0)

        plsc.subcore_barrier()
        pltpu.sync_copy(agg_sh.at[pl.ds(sid * RPT, RPT)],
                        out_hbm.at[cid, pl.ds(sid * RPT, RPT)])

    return edge_kernel


RB = 1000


def _ln(h, g, b):
    mu = jnp.mean(h, axis=-1, keepdims=True)
    var = jnp.mean((h - mu) ** 2, axis=-1, keepdims=True)
    return (h - mu) * lax.rsqrt(var + 1e-5) * g + b


def _pre_body(x_ref, degp_ref, Wp_, bp_, Wg1_, Wm1_, bm1_, g1_, be1_,
              Wm2_, bm2_, g2_, be2_, Wm3_, bm3_,
              mo_ref, m1p_ref, dinv_ref):
    xb = x_ref[...]
    deg = degp_ref[0, :, 0:1] + degp_ref[1, :, 0:1] + 1.0
    dinv = lax.rsqrt(deg)
    t = jnp.dot(xb, Wm1_[...], preferred_element_type=jnp.float32) + bm1_[...]
    t = jax.nn.relu(_ln(t, g1_[...], be1_[...]))
    t = jnp.dot(t, Wm2_[...], preferred_element_type=jnp.float32) + bm2_[...]
    t = jax.nn.relu(_ln(t, g2_[...], be2_[...]))
    mo_ref[...] = jnp.dot(t, Wm3_[...], preferred_element_type=jnp.float32) + bm3_[...]
    h = jnp.dot(xb, Wp_[...], preferred_element_type=jnp.float32) + bp_[...]
    m1 = jnp.dot(h, Wg1_[...], preferred_element_type=jnp.float32)
    m1p_ref[...] = m1 * dinv
    dinv_ref[...] = dinv


def _mid_body(aggp_ref, m1p_ref, dinv_ref, bg1_, Wg2_, h1_ref, m2p_ref):
    dinv = dinv_ref[...]
    agg1 = dinv * (aggp_ref[0] + aggp_ref[1] + m1p_ref[...])
    h1 = jax.nn.relu(agg1 + bg1_[...])
    h1_ref[...] = h1
    m2 = jnp.dot(h1, Wg2_[...], preferred_element_type=jnp.float32)
    m2p_ref[...] = m2 * dinv


def _post_body(aggp_ref, m2p_ref, dinv_ref, bg2_, h1_ref, Wpred_, bpred_,
               mo_ref, out_ref):
    dinv = dinv_ref[...]
    agg2 = dinv * (aggp_ref[0] + aggp_ref[1] + m2p_ref[...])
    h2 = jax.nn.relu(agg2 + bg2_[...])
    jk = jnp.maximum(h1_ref[...], h2)
    out = jnp.dot(jk, Wpred_[...], preferred_element_type=jnp.float32) + bpred_[...]
    out_ref[...] = out * 0.5 + mo_ref[...] * 0.5


def _row_spec(cols):
    return pl.BlockSpec((RB, cols), lambda i: (i, 0))


def _full_spec(shape):
    nd = len(shape)
    return pl.BlockSpec(shape, lambda i: (0,) * nd)


def _part_spec(cols):
    return pl.BlockSpec((NC, RB, cols), lambda i: (0, i, 0))


def kernel(x, adj, Wp, bp, Wg1, bg1, Wg2, bg2, Wm1, bm1, g1, be1,
           Wm2, bm2, g2, be2, Wm3, bm3, Wpred, bpred):
    n = x.shape[0]
    e = adj.shape[1]
    grid = (n // RB,)

    eb = NW * CHUNK * 2
    e_pad = -(-e // eb) * eb
    src = adj[0]
    dst = adj[1]
    if e_pad != e:
        src = jnp.concatenate([src, jnp.zeros((e_pad - e,), jnp.int32)])
        dst = jnp.concatenate([dst, jnp.full((e_pad - e,), n, jnp.int32)])
    nchunk = e_pad // NW // CHUNK

    deg_k = _make_deg_kernel(nchunk)
    edge_k = _make_edge_kernel(nchunk)

    degp = deg_k(dst)

    bp2 = bp.reshape(1, -1)
    bg1_2 = bg1.reshape(1, -1)
    bg2_2 = bg2.reshape(1, -1)
    bm1_2 = bm1.reshape(1, -1)
    bm2_2 = bm2.reshape(1, -1)
    g1_2 = g1.reshape(1, -1)
    g2_2 = g2.reshape(1, -1)
    be1_2 = be1.reshape(1, -1)
    be2_2 = be2.reshape(1, -1)
    bm3_2 = bm3.reshape(1, 1)
    bpred_2 = bpred.reshape(1, 1)

    mo, m1p, dinv = pl.pallas_call(
        _pre_body,
        grid=grid,
        in_specs=[
            _row_spec(D), _part_spec(16),
            _full_spec((D, D)), _full_spec((1, D)), _full_spec((D, D)),
            _full_spec((D, D)), _full_spec((1, D)), _full_spec((1, D)),
            _full_spec((1, D)),
            _full_spec((D, D)), _full_spec((1, D)), _full_spec((1, D)),
            _full_spec((1, D)),
            _full_spec((D, 1)), _full_spec((1, 1)),
        ],
        out_specs=[_row_spec(1), _row_spec(D), _row_spec(1)],
        out_shape=[
            jax.ShapeDtypeStruct((n, 1), jnp.float32),
            jax.ShapeDtypeStruct((n, D), jnp.float32),
            jax.ShapeDtypeStruct((n, 1), jnp.float32),
        ],
    )(x, degp, Wp, bp2, Wg1, Wm1, bm1_2, g1_2, be1_2,
      Wm2, bm2_2, g2_2, be2_2, Wm3, bm3_2)

    p1 = edge_k(m1p, src, dst)

    h1, m2p = pl.pallas_call(
        _mid_body,
        grid=grid,
        in_specs=[
            _part_spec(D), _row_spec(D), _row_spec(1),
            _full_spec((1, D)), _full_spec((D, D)),
        ],
        out_specs=[_row_spec(D), _row_spec(D)],
        out_shape=[
            jax.ShapeDtypeStruct((n, D), jnp.float32),
            jax.ShapeDtypeStruct((n, D), jnp.float32),
        ],
    )(p1, m1p, dinv, bg1_2, Wg2)

    p2 = edge_k(m2p, src, dst)

    out = pl.pallas_call(
        _post_body,
        grid=grid,
        in_specs=[
            _part_spec(D), _row_spec(D), _row_spec(1),
            _full_spec((1, D)), _row_spec(D),
            _full_spec((D, 1)), _full_spec((1, 1)), _row_spec(1),
        ],
        out_specs=[_row_spec(1)],
        out_shape=[jax.ShapeDtypeStruct((n, 1), jnp.float32)],
    )(p2, m2p, dinv, bg2_2, h1, Wpred, bpred_2, mo)[0]

    return out

# --- scband reference (transcript-rebuilt; emitter-appended) ---
"""Pipeline reference for scband-jump-gcn-67448166416663 (READ-ONLY COPY).

The authoritative reference and input builder live on the scoring server;
editing this copy changes nothing except your own understanding.
"""

import jax, jax.numpy as jnp
import numpy as np

N = 10000
E = 320000
D = 128
H = 128

def _glorot(k, shape):
    lim = float(np.sqrt(6.0 / (shape[0] + shape[1])))
    return jax.random.uniform(k, shape, jnp.float32, -lim, lim)

def setup_inputs(seed: int = 0):
    key = jax.random.key(seed)
    ks = jax.random.split(key, 20)
    inp = {}
    inp['x'] = jax.random.normal(ks[0], (N, D), jnp.float32)
    inp['adj'] = jax.random.randint(ks[1], (2, E), 0, N, jnp.int32)
    inp['Wp'] = _glorot(ks[2], (D, H)); inp['bp'] = jnp.zeros((H,), jnp.float32)
    inp['Wg1'] = _glorot(ks[3], (H, H)); inp['bg1'] = jnp.zeros((H,), jnp.float32)
    inp['Wg2'] = _glorot(ks[4], (H, H)); inp['bg2'] = jnp.zeros((H,), jnp.float32)
    inp['Wm1'] = _glorot(ks[5], (D, H)); inp['bm1'] = jnp.zeros((H,), jnp.float32)
    inp['g1'] = jnp.ones((H,), jnp.float32); inp['be1'] = jnp.zeros((H,), jnp.float32)
    inp['Wm2'] = _glorot(ks[6], (H, H)); inp['bm2'] = jnp.zeros((H,), jnp.float32)
    inp['g2'] = jnp.ones((H,), jnp.float32); inp['be2'] = jnp.zeros((H,), jnp.float32)
    inp['Wm3'] = _glorot(ks[7], (H, 1)); inp['bm3'] = jnp.zeros((1,), jnp.float32)
    inp['Wpred'] = _glorot(ks[8], (H, 1)); inp['bpred'] = jnp.zeros((1,), jnp.float32)
    return inp

def _ln(h, g, b):
    mu = jnp.mean(h, axis=-1, keepdims=True)
    var = jnp.mean((h - mu) ** 2, axis=-1, keepdims=True)
    return (h - mu) / jnp.sqrt(var + 1e-5) * g + b

def _gcn(h, src, dst, norm, W, b, n):
    m = h @ W
    msg = m[src] * norm[:, None]
    agg = jnp.zeros((n, m.shape[1]), m.dtype).at[dst].add(msg)
    return agg + b

def reference(x, adj, Wp, bp, Wg1, bg1, Wg2, bg2, Wm1, bm1, g1, be1, Wm2, bm2, g2, be2, Wm3, bm3, Wpred, bpred):
    n = x.shape[0]
    loop = jnp.arange(n, dtype=adj.dtype)
    src = jnp.concatenate([adj[0], loop])
    dst = jnp.concatenate([adj[1], loop])
    deg = jnp.zeros((n,), jnp.float32).at[dst].add(1.0)
    dinv = 1.0 / jnp.sqrt(jnp.maximum(deg, 1.0))
    norm = dinv[src] * dinv[dst]
    # Mlp branch: 3 layers, Linear->LN->ReLU twice, then Linear to 1
    mlp_h = jax.nn.relu(_ln(x @ Wm1 + bm1, g1, be1))
    mlp_h = jax.nn.relu(_ln(mlp_h @ Wm2 + bm2, g2, be2))
    mlp_out = mlp_h @ Wm3 + bm3
    # GNN branch
    h = x @ Wp + bp
    h1 = jax.nn.relu(_gcn(h, src, dst, norm, Wg1, bg1, n))
    h2 = jax.nn.relu(_gcn(h1, src, dst, norm, Wg2, bg2, n))
    # JumpingKnowledge 'max': elementwise max across layer outputs
    out = jnp.maximum(h1, h2)
    out = out @ Wpred + bpred
    return out / 2 + mlp_out / 2

if __name__ == "__main__":
    import jax
    _d = setup_inputs()
    print(jax.jit(kernel)(*tuple(_d.values())))

</pallas_src>

<mosaic_0001>
#map = affine_map<(d0, d1) -> (0, 0)>
#map1 = affine_map<(d0, d1) -> (0)>
#map2 = affine_map<(d0, d1) -> (0, 0, 0)>
module attributes {stable_mosaic.version = 14 : i64} {
  func.func @edge_kernel(%arg0: i32, %arg1: i32, %arg2: memref<10000x128xf32, #tpu.memory_space<hbm>>, %arg3: memref<322560xi32, #tpu.memory_space<hbm>>, %arg4: memref<322560xi32, #tpu.memory_space<hbm>>, %arg5: memref<2x10240x128xf32, #tpu.memory_space<hbm>>, %arg6: memref<80xi32, #tpu.memory_space<vmem>>, %arg7: memref<80xi32, #tpu.memory_space<vmem>>, %arg8: memref<80xi32, #tpu.memory_space<vmem>>, %arg9: memref<80xi32, #tpu.memory_space<vmem>>, %arg10: memref<80x128xf32, #tpu.memory_space<vmem>>, %arg11: memref<10240x128xf32, #tpu.memory_space<vmem_shared>>, %arg12: memref<!tpu.dma_semaphore, #tpu.memory_space<semaphore_mem>>, %arg13: memref<!tpu.dma_semaphore, #tpu.memory_space<semaphore_mem>>, %arg14: memref<!tpu.dma_semaphore, #tpu.memory_space<semaphore_mem>>) attributes {dimension_semantics = [#tpu.dimension_semantics<core_parallel>, #tpu.dimension_semantics<subcore_parallel>], iteration_bounds = array<i64: 2, 16>, scalar_prefetch = 0 : i64, scratch_operands = 9 : i64, tpu.core_type = #tpu.core_type<sc_vector_subcore>, window_params = [{transform_indices = #map}, {transform_indices = #map1}, {transform_indices = #map1}, {transform_indices = #map2}]} {
    %eq3A = arith.constant 0 : i32
    %eq3A_0 = arith.cmpi eq, %arg0, %eq3A : i32
    %mul3A = arith.constant 146 : i32
    %mul3A_1 = arith.muli %arg1, %mul3A : i32
    %mul3A_2 = arith.constant 106 : i32
    %mul3A_3 = arith.muli %arg1, %mul3A_2 : i32
    %add3A = arith.constant 2336 : i32
    %add3A_4 = arith.addi %add3A, %mul3A_3 : i32
    %select_n3A = arith.select %eq3A_0, %mul3A_1, %add3A_4 : i32
    %mul3A_5 = arith.constant 80 : i32
    %mul3A_6 = arith.muli %select_n3A, %mul3A_5 : i32
    %eq3A_7 = arith.constant 0 : i32
    %eq3A_8 = arith.cmpi eq, %arg0, %eq3A_7 : i32
    %jit3A = arith.constant 73 : i32
    %jit3A_9 = arith.constant 53 : i32
    %select_n3A_10 = arith.select %eq3A_8, %jit3A, %jit3A_9 : i32
    %add3A_11 = arith.constant 0 : i32
    %add3A_12 = arith.addi %mul3A_6, %add3A_11 : i32
    %dma_start3A = tpu.memref_slice %arg3[%add3A_12] : memref<322560xi32, #tpu.memory_space<hbm>> -> memref<80xi32, #tpu.memory_space<hbm>>
    %dma_start3A_13 = tpu.memref_slice %arg3[%add3A_12] : memref<322560xi32, #tpu.memory_space<hbm>> -> memref<80xi32, #tpu.memory_space<hbm>>
    tpu.enqueue_dma source(%dma_start3A_13 : memref<80xi32, #tpu.memory_space<hbm>>) target(%arg6 : memref<80xi32, #tpu.memory_space<vmem>>) target_semaphore(%arg12 : memref<!tpu.dma_semaphore, #tpu.memory_space<semaphore_mem>>)
    %add3A_14 = arith.constant 0 : i32
    %add3A_15 = arith.addi %mul3A_6, %add3A_14 : i32
    %dma_start3A_16 = tpu.memref_slice %arg4[%add3A_15] : memref<322560xi32, #tpu.memory_space<hbm>> -> memref<80xi32, #tpu.memory_space<hbm>>
    %dma_start3A_17 = tpu.memref_slice %arg4[%add3A_15] : memref<322560xi32, #tpu.memory_space<hbm>> -> memref<80xi32, #tpu.memory_space<hbm>>
    tpu.enqueue_dma source(%dma_start3A_17 : memref<80xi32, #tpu.memory_space<hbm>>) target(%arg8 : memref<80xi32, #tpu.memory_space<vmem>>) target_semaphore(%arg12 : memref<!tpu.dma_semaphore, #tpu.memory_space<semaphore_mem>>)
    %broadcast_in_dim3A = arith.constant 0.000000e+00 : f32
    %broadcast_in_dim3A_18 = vector.broadcast %broadcast_in_dim3A : f32 to vector<16xf32>
    %scan3A = arith.constant 0 : i32
    %scan3A_19 = arith.constant 0 : i32
    %scan3A_20 = arith.constant 80 : i32
    %scan3A_21 = arith.addi %scan3A_19, %scan3A_20 : i32
    %scan3A_22 = arith.constant 1 : i32
    %scan3A_23 = scf.for %scan3A_48 = %scan3A_19 to %scan3A_21 step %scan3A_22 iter_args(%scan3A_49 = %scan3A) -> (i32)  : i32 {
      %scan3A_50 = arith.constant 0 : i32
      %scan3A_51 = arith.constant 0 : i32
      %scan3A_52 = arith.constant 8 : i32
      %scan3A_53 = arith.addi %scan3A_51, %scan3A_52 : i32
      %scan3A_54 = arith.constant 1 : i32
      %scan3A_55 = scf.for %scan3A_57 = %scan3A_51 to %scan3A_53 step %scan3A_54 iter_args(%scan3A_58 = %scan3A_50) -> (i32)  : i32 {
        %mul3A_59 = arith.constant 16 : i32
        %mul3A_60 = arith.muli %scan3A_57, %mul3A_59 : i32
        %swap3A = arith.index_cast %scan3A_48 : i32 to index
        %swap3A_61 = arith.index_cast %mul3A_60 : i32 to index
        %swap3A_62 = tpu.vector_load %arg10[%swap3A, %swap3A_61] {strides = array<i32>} : memref<80x128xf32, #tpu.memory_space<vmem>>, vector<1x16xf32>,
        %swap3A_63 = vector.shape_cast %swap3A_62 : vector<1x16xf32> to vector<16xf32>
        %swap3A_64 = vector.shape_cast %broadcast_in_dim3A_18 : vector<16xf32> to vector<1x16xf32>
        tpu.vector_store %arg10[%swap3A, %swap3A_61], %swap3A_64 {strides = array<i32>} : memref<80x128xf32, #tpu.memory_space<vmem>>, vector<1x16xf32>,
        %scan3A_65 = arith.constant 0 : i32
        scf.yield %scan3A_65 : i32
      }
      %scan3A_56 = arith.constant 8 : i32
      scf.yield %scan3A_55 : i32
    }
    %scan3A_24 = arith.constant 80 : i32
    %scan3A_25 = arith.constant 0 : i32
    %scan3A_26 = arith.constant 0 : i32
    %scan3A_27 = arith.constant 8 : i32
    %scan3A_28 = arith.addi %scan3A_26, %scan3A_27 : i32
    %scan3A_29 = arith.constant 1 : i32
    %scan3A_30 = scf.for %scan3A_48 = %scan3A_26 to %scan3A_28 step %scan3A_29 iter_args(%scan3A_49 = %scan3A_25) -> (i32)  : i32 {
      %mul3A_50 = arith.constant 640 : i32
      %mul3A_51 = arith.muli %arg1, %mul3A_50 : i32
      %mul3A_52 = arith.constant 80 : i32
      %mul3A_53 = arith.muli %scan3A_48, %mul3A_52 : i32
      %add3A_54 = arith.addi %mul3A_51, %mul3A_53 : i32
      "tpu.region"() ({
        %run_scoped3A = tpu.sem_alloc : memref<!tpu.dma_semaphore, #tpu.memory_space<semaphore_mem>>
        %dma_start3A_56 = arith.constant 0 : i32
        %dma_start3A_57 = tpu.memref_slice %arg11[%add3A_54, %dma_start3A_56] : memref<10240x128xf32, #tpu.memory_space<vmem_shared>> -> memref<80x128xf32, #tpu.memory_space<vmem_shared>>
        %dma_start3A_58 = arith.constant 0 : i32
        %dma_start3A_59 = tpu.memref_slice %arg11[%add3A_54, %dma_start3A_58] : memref<10240x128xf32, #tpu.memory_space<vmem_shared>> -> memref<80x128xf32, #tpu.memory_space<vmem_shared>>
        tpu.enqueue_dma source(%arg10 : memref<80x128xf32, #tpu.memory_space<vmem>>) target(%dma_start3A_59 : memref<80x128xf32, #tpu.memory_space<vmem_shared>>) target_semaphore(%run_scoped3A : memref<!tpu.dma_semaphore, #tpu.memory_space<semaphore_mem>>)
        %dma_wait3A = arith.constant 0 : i32
        %dma_wait3A_60 = tpu.memref_slice %arg11[%add3A_54, %dma_wait3A] : memref<10240x128xf32, #tpu.memory_space<vmem_shared>> -> memref<80x128xf32, #tpu.memory_space<vmem_shared>>
        %dma_wait3A_61 = arith.constant 0 : i32
        %dma_wait3A_62 = tpu.memref_slice %arg11[%add3A_54, %dma_wait3A_61] : memref<10240x128xf32, #tpu.memory_space<vmem_shared>> -> memref<80x128xf32, #tpu.memory_space<vmem_shared>>
        tpu.wait_dma2 semaphore(%run_scoped3A : memref<!tpu.dma_semaphore, #tpu.memory_space<semaphore_mem>>) src(%arg10 : memref<80x128xf32, #tpu.memory_space<vmem>>) dst(%dma_wait3A_62 : memref<80x128xf32, #tpu.memory_space<vmem_shared>>)
        tpu.yield
      }) : () -> ()
      %scan3A_55 = arith.constant 0 : i32
      scf.yield %scan3A_55 : i32
    }
    %scan3A_31 = arith.constant 8 : i32
    %barrier3A = arith.constant 0 : index
    tpu.barrier barrier_id(%barrier3A)
    %while3A = arith.constant 0 : i32
    %while3A_32 = arith.constant 0 : i32
    %while3A_33 = arith.subi %select_n3A_10, %while3A : i32
    %while3A_34 = arith.addi %while3A, %while3A_33 : i32
    %while3A_35 = arith.constant 1 : i32
    %while3A_36 = arith.divsi %while3A_33, %while3A_35 : i32
    %while3A_37 = arith.muli %while3A_36, %while3A_35 : i32
    %while3A_38 = arith.addi %while3A, %while3A_37 : i32
    %while3A_39 = arith.constant 1 : i32
    %while3A_40 = scf.for %while3A_48 = %while3A to %while3A_38 step %while3A_39 iter_args(%while3A_49 = %while3A_32) -> (i32)  : i32 {
      %mul3A_50 = arith.constant 2 : i32
      %mul3A_51 = arith.muli %mul3A_50, %while3A_48 : i32
      %add3A_52 = arith.constant 1 : i32
      %add3A_53 = arith.addi %mul3A_51, %add3A_52 : i32
      %mul3A_54 = arith.constant 80 : i32
      %mul3A_55 = arith.muli %add3A_53, %mul3A_54 : i32
      %add3A_56 = arith.addi %mul3A_6, %mul3A_55 : i32
      %dma_start3A_57 = tpu.memref_slice %arg3[%add3A_56] : memref<322560xi32, #tpu.memory_space<hbm>> -> memref<80xi32, #tpu.memory_space<hbm>>
      %dma_start3A_58 = tpu.memref_slice %arg3[%add3A_56] : memref<322560xi32, #tpu.memory_space<hbm>> -> memref<80xi32, #tpu.memory_space<hbm>>
      tpu.enqueue_dma source(%dma_start3A_58 : memref<80xi32, #tpu.memory_space<hbm>>) target(%arg7 : memref<80xi32, #tpu.memory_space<vmem>>) target_semaphore(%arg13 : memref<!tpu.dma_semaphore, #tpu.memory_space<semaphore_mem>>)
      %mul3A_59 = arith.constant 80 : i32
      %mul3A_60 = arith.muli %add3A_53, %mul3A_59 : i32
      %add3A_61 = arith.addi %mul3A_6, %mul3A_60 : i32
      %dma_start3A_62 = tpu.memref_slice %arg4[%add3A_61] : memref<322560xi32, #tpu.memory_space<hbm>> -> memref<80xi32, #tpu.memory_space<hbm>>
      %dma_start3A_63 = tpu.memref_slice %arg4[%add3A_61] : memref<322560xi32, #tpu.memory_space<hbm>> -> memref<80xi32, #tpu.memory_space<hbm>>
      tpu.enqueue_dma source(%dma_start3A_63 : memref<80xi32, #tpu.memory_space<hbm>>) target(%arg9 : memref<80xi32, #tpu.memory_space<vmem>>) target_semaphore(%arg13 : memref<!tpu.dma_semaphore, #tpu.memory_space<semaphore_mem>>)
      %mul3A_64 = arith.constant 80 : i32
      %mul3A_65 = arith.muli %mul3A_51, %mul3A_64 : i32
      %add3A_66 = arith.addi %mul3A_6, %mul3A_65 : i32
      %dma_wait3A = tpu.memref_slice %arg3[%add3A_66] : memref<322560xi32, #tpu.memory_space<hbm>> -> memref<80xi32, #tpu.memory_space<hbm>>
      %dma_wait3A_67 = tpu.memref_slice %arg3[%add3A_66] : memref<322560xi32, #tpu.memory_space<hbm>> -> memref<80xi32, #tpu.memory_space<hbm>>
      tpu.wait_dma2 semaphore(%arg12 : memref<!tpu.dma_semaphore, #tpu.memory_space<semaphore_mem>>) src(%dma_wait3A_67 : memref<80xi32, #tpu.memory_space<hbm>>) dst(%arg6 : memref<80xi32, #tpu.memory_space<vmem>>)
      %mul3A_68 = arith.constant 80 : i32
      %mul3A_69 = arith.muli %mul3A_51, %mul3A_68 : i32
      %add3A_70 = arith.addi %mul3A_6, %mul3A_69 : i32
      %dma_wait3A_71 = tpu.memref_slice %arg4[%add3A_70] : memref<322560xi32, #tpu.memory_space<hbm>> -> memref<80xi32, #tpu.memory_space<hbm>>
      %dma_wait3A_72 = tpu.memref_slice %arg4[%add3A_70] : memref<322560xi32, #tpu.memory_space<hbm>> -> memref<80xi32, #tpu.memory_space<hbm>>
      tpu.wait_dma2 semaphore(%arg12 : memref<!tpu.dma_semaphore, #tpu.memory_space<semaphore_mem>>) src(%dma_wait3A_72 : memref<80xi32, #tpu.memory_space<hbm>>) dst(%arg8 : memref<80xi32, #tpu.memory_space<vmem>>)
      %dma_start3A_73 = arith.constant 0 : i32
      %dma_start3A_74 = arith.constant 0 : i32
      %dma_start3A_75 = tpu.memref_slice %arg2[%dma_start3A_73, %dma_start3A_74] : memref<10000x128xf32, #tpu.memory_space<hbm>> -> memref<10000x128xf32, #tpu.memory_space<hbm>>
      tpu.enqueue_indirect_dma source(%dma_start3A_75 : memref<10000x128xf32, #tpu.memory_space<hbm>>) target(%arg10 : memref<80x128xf32, #tpu.memory_space<vmem>>) offsets(%arg6 : memref<80xi32, #tpu.memory_space<vmem>>) semaphore(%arg14 : memref<!tpu.dma_semaphore, #tpu.memory_space<semaphore_mem>>)
      %dma_wait3A_76 = arith.constant 0 : i32
      %dma_wait3A_77 = arith.constant 0 : i32
      %dma_wait3A_78 = tpu.memref_slice %arg2[%dma_wait3A_76, %dma_wait3A_77] : memref<10000x128xf32, #tpu.memory_space<hbm>> -> memref<10000x128xf32, #tpu.memory_space<hbm>>
      tpu.wait_indirect_dma semaphore(%arg14 : memref<!tpu.dma_semaphore, #tpu.memory_space<semaphore_mem>>) src(%dma_wait3A_78 : memref<10000x128xf32, #tpu.memory_space<hbm>>) dst(%arg10 : memref<80x128xf32, #tpu.memory_space<vmem>>)
      "tpu.region"() ({
        %run_scoped3A = tpu.sem_alloc : memref<!tpu.dma_semaphore, #tpu.memory_space<semaphore_mem>>
        %dma_start3A_100 = arith.constant 0 : i32
        %dma_start3A_101 = arith.constant 0 : i32
        %dma_start3A_102 = tpu.memref_slice %arg11[%dma_start3A_100, %dma_start3A_101] : memref<10240x128xf32, #tpu.memory_space<vmem_shared>> -> memref<10240x128xf32, #tpu.memory_space<vmem_shared>>
        tpu.enqueue_indirect_dma source(%arg10 : memref<80x128xf32, #tpu.memory_space<vmem>>) target(%dma_start3A_102 : memref<10240x128xf32, #tpu.memory_space<vmem_shared>>) offsets(%arg8 : memref<80xi32, #tpu.memory_space<vmem>>) semaphore(%run_scoped3A : memref<!tpu.dma_semaphore, #tpu.memory_space<semaphore_mem>>) {add = true}
        %dma_wait3A_103 = arith.constant 0 : i32
        %dma_wait3A_104 = arith.constant 0 : i32
        %dma_wait3A_105 = tpu.memref_slice %arg11[%dma_wait3A_103, %dma_wait3A_104] : memref<10240x128xf32, #tpu.memory_space<vmem_shared>> -> memref<10240x128xf32, #tpu.memory_space<vmem_shared>>
        tpu.wait_indirect_dma semaphore(%run_scoped3A : memref<!tpu.dma_semaphore, #tpu.memory_space<semaphore_mem>>) src(%arg10 : memref<80x128xf32, #tpu.memory_space<vmem>>) dst(%dma_wait3A_105 : memref<10240x128xf32, #tpu.memory_space<vmem_shared>>)
        tpu.yield
      }) : () -> ()
      %sub3A = arith.constant 1 : i32
      %sub3A_79 = arith.subi %select_n3A_10, %sub3A : i32
      %lt3A = arith.cmpi slt, %while3A_48, %sub3A_79 : i32
      %convert_element_type3A = arith.extui %lt3A : i1 to i32
      %cond3A = arith.constant 0 : i32
      %cond3A_80 = arith.cmpi ne, %convert_element_type3A, %cond3A : i32
      scf.if %cond3A_80 {
        %add3A_100 = arith.constant 2 : i32
        %add3A_101 = arith.addi %mul3A_51, %add3A_100 : i32
        %mul3A_102 = arith.constant 80 : i32
        %mul3A_103 = arith.muli %add3A_101, %mul3A_102 : i32
        %add3A_104 = arith.addi %mul3A_6, %mul3A_103 : i32
        %dma_start3A_105 = tpu.memref_slice %arg3[%add3A_104] : memref<322560xi32, #tpu.memory_space<hbm>> -> memref<80xi32, #tpu.memory_space<hbm>>
        %dma_start3A_106 = tpu.memref_slice %arg3[%add3A_104] : memref<322560xi32, #tpu.memory_space<hbm>> -> memref<80xi32, #tpu.memory_space<hbm>>
        tpu.enqueue_dma source(%dma_start3A_106 : memref<80xi32, #tpu.memory_space<hbm>>) target(%arg6 : memref<80xi32, #tpu.memory_space<vmem>>) target_semaphore(%arg12 : memref<!tpu.dma_semaphore, #tpu.memory_space<semaphore_mem>>)
        %mul3A_107 = arith.constant 80 : i32
        %mul3A_108 = arith.muli %add3A_101, %mul3A_107 : i32
        %add3A_109 = arith.addi %mul3A_6, %mul3A_108 : i32
        %dma_start3A_110 = tpu.memref_slice %arg4[%add3A_109] : memref<322560xi32, #tpu.memory_space<hbm>> -> memref<80xi32, #tpu.memory_space<hbm>>
        %dma_start3A_111 = tpu.memref_slice %arg4[%add3A_109] : memref<322560xi32, #tpu.memory_space<hbm>> -> memref<80xi32, #tpu.memory_space<hbm>>
        tpu.enqueue_dma source(%dma_start3A_111 : memref<80xi32, #tpu.memory_space<hbm>>) target(%arg8 : memref<80xi32, #tpu.memory_space<vmem>>) target_semaphore(%arg12 : memref<!tpu.dma_semaphore, #tpu.memory_space<semaphore_mem>>)
      } else {
      }
      %add3A_81 = arith.constant 1 : i32
      %add3A_82 = arith.addi %mul3A_51, %add3A_81 : i32
      %mul3A_83 = arith.constant 80 : i32
      %mul3A_84 = arith.muli %add3A_82, %mul3A_83 : i32
      %add3A_85 = arith.addi %mul3A_6, %mul3A_84 : i32
      %dma_wait3A_86 = tpu.memref_slice %arg3[%add3A_85] : memref<322560xi32, #tpu.memory_space<hbm>> -> memref<80xi32, #tpu.memory_space<hbm>>
      %dma_wait3A_87 = tpu.memref_slice %arg3[%add3A_85] : memref<322560xi32, #tpu.memory_space<hbm>> -> memref<80xi32, #tpu.memory_space<hbm>>
      tpu.wait_dma2 semaphore(%arg13 : memref<!tpu.dma_semaphore, #tpu.memory_space<semaphore_mem>>) src(%dma_wait3A_87 : memref<80xi32, #tpu.memory_space<hbm>>) dst(%arg7 : memref<80xi32, #tpu.memory_space<vmem>>)
      %mul3A_88 = arith.constant 80 : i32
      %mul3A_89 = arith.muli %add3A_82, %mul3A_88 : i32
      %add3A_90 = arith.addi %mul3A_6, %mul3A_89 : i32
      %dma_wait3A_91 = tpu.memref_slice %arg4[%add3A_90] : memref<322560xi32, #tpu.memory_space<hbm>> -> memref<80xi32, #tpu.memory_space<hbm>>
      %dma_wait3A_92 = tpu.memref_slice %arg4[%add3A_90] : memref<322560xi32, #tpu.memory_space<hbm>> -> memref<80xi32, #tpu.memory_space<hbm>>
      tpu.wait_dma2 semaphore(%arg13 : memref<!tpu.dma_semaphore, #tpu.memory_space<semaphore_mem>>) src(%dma_wait3A_92 : memref<80xi32, #tpu.memory_space<hbm>>) dst(%arg9 : memref<80xi32, #tpu.memory_space<vmem>>)
      %dma_start3A_93 = arith.constant 0 : i32
      %dma_start3A_94 = arith.constant 0 : i32
      %dma_start3A_95 = tpu.memref_slice %arg2[%dma_start3A_93, %dma_start3A_94] : memref<10000x128xf32, #tpu.memory_space<hbm>> -> memref<10000x128xf32, #tpu.memory_space<hbm>>
      tpu.enqueue_indirect_dma source(%dma_start3A_95 : memref<10000x128xf32, #tpu.memory_space<hbm>>) target(%arg10 : memref<80x128xf32, #tpu.memory_space<vmem>>) offsets(%arg7 : memref<80xi32, #tpu.memory_space<vmem>>) semaphore(%arg14 : memref<!tpu.dma_semaphore, #tpu.memory_space<semaphore_mem>>)
      %dma_wait3A_96 = arith.constant 0 : i32
      %dma_wait3A_97 = arith.constant 0 : i32
      %dma_wait3A_98 = tpu.memref_slice %arg2[%dma_wait3A_96, %dma_wait3A_97] : memref<10000x128xf32, #tpu.memory_space<hbm>> -> memref<10000x128xf32, #tpu.memory_space<hbm>>
      tpu.wait_indirect_dma semaphore(%arg14 : memref<!tpu.dma_semaphore, #tpu.memory_space<semaphore_mem>>) src(%dma_wait3A_98 : memref<10000x128xf32, #tpu.memory_space<hbm>>) dst(%arg10 : memref<80x128xf32, #tpu.memory_space<vmem>>)
      "tpu.region"() ({
        %run_scoped3A = tpu.sem_alloc : memref<!tpu.dma_semaphore, #tpu.memory_space<semaphore_mem>>
        %dma_start3A_100 = arith.constant 0 : i32
        %dma_start3A_101 = arith.constant 0 : i32
        %dma_start3A_102 = tpu.memref_slice %arg11[%dma_start3A_100, %dma_start3A_101] : memref<10240x128xf32, #tpu.memory_space<vmem_shared>> -> memref<10240x128xf32, #tpu.memory_space<vmem_shared>>
        tpu.enqueue_indirect_dma source(%arg10 : memref<80x128xf32, #tpu.memory_space<vmem>>) target(%dma_start3A_102 : memref<10240x128xf32, #tpu.memory_space<vmem_shared>>) offsets(%arg9 : memref<80xi32, #tpu.memory_space<vmem>>) semaphore(%run_scoped3A : memref<!tpu.dma_semaphore, #tpu.memory_space<semaphore_mem>>) {add = true}
        %dma_wait3A_103 = arith.constant 0 : i32
        %dma_wait3A_104 = arith.constant 0 : i32
        %dma_wait3A_105 = tpu.memref_slice %arg11[%dma_wait3A_103, %dma_wait3A_104] : memref<10240x128xf32, #tpu.memory_space<vmem_shared>> -> memref<10240x128xf32, #tpu.memory_space<vmem_shared>>
        tpu.wait_indirect_dma semaphore(%run_scoped3A : memref<!tpu.dma_semaphore, #tpu.memory_space<semaphore_mem>>) src(%arg10 : memref<80x128xf32, #tpu.memory_space<vmem>>) dst(%dma_wait3A_105 : memref<10240x128xf32, #tpu.memory_space<vmem_shared>>)
        tpu.yield
      }) : () -> ()
      %while3A_99 = arith.constant 0 : i32
      scf.yield %while3A_99 : i32
    }
    %while3A_41 = arith.constant 1 : i32
    %while3A_42 = scf.for %while3A_48 = %while3A_38 to %while3A_34 step %while3A_41 iter_args(%while3A_49 = %while3A_40) -> (i32)  : i32 {
      %mul3A_50 = arith.constant 2 : i32
      %mul3A_51 = arith.muli %mul3A_50, %while3A_48 : i32
      %add3A_52 = arith.constant 1 : i32
      %add3A_53 = arith.addi %mul3A_51, %add3A_52 : i32
      %mul3A_54 = arith.constant 80 : i32
      %mul3A_55 = arith.muli %add3A_53, %mul3A_54 : i32
      %add3A_56 = arith.addi %mul3A_6, %mul3A_55 : i32
      %dma_start3A_57 = tpu.memref_slice %arg3[%add3A_56] : memref<322560xi32, #tpu.memory_space<hbm>> -> memref<80xi32, #tpu.memory_space<hbm>>
      %dma_start3A_58 = tpu.memref_slice %arg3[%add3A_56] : memref<322560xi32, #tpu.memory_space<hbm>> -> memref<80xi32, #tpu.memory_space<hbm>>
      tpu.enqueue_dma source(%dma_start3A_58 : memref<80xi32, #tpu.memory_space<hbm>>) target(%arg7 : memref<80xi32, #tpu.memory_space<vmem>>) target_semaphore(%arg13 : memref<!tpu.dma_semaphore, #tpu.memory_space<semaphore_mem>>)
      %mul3A_59 = arith.constant 80 : i32
      %mul3A_60 = arith.muli %add3A_53, %mul3A_59 : i32
      %add3A_61 = arith.addi %mul3A_6, %mul3A_60 : i32
      %dma_start3A_62 = tpu.memref_slice %arg4[%add3A_61] : memref<322560xi32, #tpu.memory_space<hbm>> -> memref<80xi32, #tpu.memory_space<hbm>>
      %dma_start3A_63 = tpu.memref_slice %arg4[%add3A_61] : memref<322560xi32, #tpu.memory_space<hbm>> -> memref<80xi32, #tpu.memory_space<hbm>>
      tpu.enqueue_dma source(%dma_start3A_63 : memref<80xi32, #tpu.memory_space<hbm>>) target(%arg9 : memref<80xi32, #tpu.memory_space<vmem>>) target_semaphore(%arg13 : memref<!tpu.dma_semaphore, #tpu.memory_space<semaphore_mem>>)
      %mul3A_64 = arith.constant 80 : i32
      %mul3A_65 = arith.muli %mul3A_51, %mul3A_64 : i32
      %add3A_66 = arith.addi %mul3A_6, %mul3A_65 : i32
      %dma_wait3A = tpu.memref_slice %arg3[%add3A_66] : memref<322560xi32, #tpu.memory_space<hbm>> -> memref<80xi32, #tpu.memory_space<hbm>>
      %dma_wait3A_67 = tpu.memref_slice %arg3[%add3A_66] : memref<322560xi32, #tpu.memory_space<hbm>> -> memref<80xi32, #tpu.memory_space<hbm>>
      tpu.wait_dma2 semaphore(%arg12 : memref<!tpu.dma_semaphore, #tpu.memory_space<semaphore_mem>>) src(%dma_wait3A_67 : memref<80xi32, #tpu.memory_space<hbm>>) dst(%arg6 : memref<80xi32, #tpu.memory_space<vmem>>)
      %mul3A_68 = arith.constant 80 : i32
      %mul3A_69 = arith.muli %mul3A_51, %mul3A_68 : i32
      %add3A_70 = arith.addi %mul3A_6, %mul3A_69 : i32
      %dma_wait3A_71 = tpu.memref_slice %arg4[%add3A_70] : memref<322560xi32, #tpu.memory_space<hbm>> -> memref<80xi32, #tpu.memory_space<hbm>>
      %dma_wait3A_72 = tpu.memref_slice %arg4[%add3A_70] : memref<322560xi32, #tpu.memory_space<hbm>> -> memref<80xi32, #tpu.memory_space<hbm>>
      tpu.wait_dma2 semaphore(%arg12 : memref<!tpu.dma_semaphore, #tpu.memory_space<semaphore_mem>>) src(%dma_wait3A_72 : memref<80xi32, #tpu.memory_space<hbm>>) dst(%arg8 : memref<80xi32, #tpu.memory_space<vmem>>)
      %dma_start3A_73 = arith.constant 0 : i32
      %dma_start3A_74 = arith.constant 0 : i32
      %dma_start3A_75 = tpu.memref_slice %arg2[%dma_start3A_73, %dma_start3A_74] : memref<10000x128xf32, #tpu.memory_space<hbm>> -> memref<10000x128xf32, #tpu.memory_space<hbm>>
      tpu.enqueue_indirect_dma source(%dma_start3A_75 : memref<10000x128xf32, #tpu.memory_space<hbm>>) target(%arg10 : memref<80x128xf32, #tpu.memory_space<vmem>>) offsets(%arg6 : memref<80xi32, #tpu.memory_space<vmem>>) semaphore(%arg14 : memref<!tpu.dma_semaphore, #tpu.memory_space<semaphore_mem>>)
      %dma_wait3A_76 = arith.constant 0 : i32
      %dma_wait3A_77 = arith.constant 0 : i32
      %dma_wait3A_78 = tpu.memref_slice %arg2[%dma_wait3A_76, %dma_wait3A_77] : memref<10000x128xf32, #tpu.memory_space<hbm>> -> memref<10000x128xf32, #tpu.memory_space<hbm>>
      tpu.wait_indirect_dma semaphore(%arg14 : memref<!tpu.dma_semaphore, #tpu.memory_space<semaphore_mem>>) src(%dma_wait3A_78 : memref<10000x128xf32, #tpu.memory_space<hbm>>) dst(%arg10 : memref<80x128xf32, #tpu.memory_space<vmem>>)
      "tpu.region"() ({
        %run_scoped3A = tpu.sem_alloc : memref<!tpu.dma_semaphore, #tpu.memory_space<semaphore_mem>>
        %dma_start3A_100 = arith.constant 0 : i32
        %dma_start3A_101 = arith.constant 0 : i32
        %dma_start3A_102 = tpu.memref_slice %arg11[%dma_start3A_100, %dma_start3A_101] : memref<10240x128xf32, #tpu.memory_space<vmem_shared>> -> memref<10240x128xf32, #tpu.memory_space<vmem_shared>>
        tpu.enqueue_indirect_dma source(%arg10 : memref<80x128xf32, #tpu.memory_space<vmem>>) target(%dma_start3A_102 : memref<10240x128xf32, #tpu.memory_space<vmem_shared>>) offsets(%arg8 : memref<80xi32, #tpu.memory_space<vmem>>) semaphore(%run_scoped3A : memref<!tpu.dma_semaphore, #tpu.memory_space<semaphore_mem>>) {add = true}
        %dma_wait3A_103 = arith.constant 0 : i32
        %dma_wait3A_104 = arith.constant 0 : i32
        %dma_wait3A_105 = tpu.memref_slice %arg11[%dma_wait3A_103, %dma_wait3A_104] : memref<10240x128xf32, #tpu.memory_space<vmem_shared>> -> memref<10240x128xf32, #tpu.memory_space<vmem_shared>>
        tpu.wait_indirect_dma semaphore(%run_scoped3A : memref<!tpu.dma_semaphore, #tpu.memory_space<semaphore_mem>>) src(%arg10 : memref<80x128xf32, #tpu.memory_space<vmem>>) dst(%dma_wait3A_105 : memref<10240x128xf32, #tpu.memory_space<vmem_shared>>)
        tpu.yield
      }) : () -> ()
      %sub3A = arith.constant 1 : i32
      %sub3A_79 = arith.subi %select_n3A_10, %sub3A : i32
      %lt3A = arith.cmpi slt, %while3A_48, %sub3A_79 : i32
      %convert_element_type3A = arith.extui %lt3A : i1 to i32
      %cond3A = arith.constant 0 : i32
      %cond3A_80 = arith.cmpi ne, %convert_element_type3A, %cond3A : i32
      scf.if %cond3A_80 {
        %add3A_100 = arith.constant 2 : i32
        %add3A_101 = arith.addi %mul3A_51, %add3A_100 : i32
        %mul3A_102 = arith.constant 80 : i32
        %mul3A_103 = arith.muli %add3A_101, %mul3A_102 : i32
        %add3A_104 = arith.addi %mul3A_6, %mul3A_103 : i32
        %dma_start3A_105 = tpu.memref_slice %arg3[%add3A_104] : memref<322560xi32, #tpu.memory_space<hbm>> -> memref<80xi32, #tpu.memory_space<hbm>>
        %dma_start3A_106 = tpu.memref_slice %arg3[%add3A_104] : memref<322560xi32, #tpu.memory_space<hbm>> -> memref<80xi32, #tpu.memory_space<hbm>>
        tpu.enqueue_dma source(%dma_start3A_106 : memref<80xi32, #tpu.memory_space<hbm>>) target(%arg6 : memref<80xi32, #tpu.memory_space<vmem>>) target_semaphore(%arg12 : memref<!tpu.dma_semaphore, #tpu.memory_space<semaphore_mem>>)
        %mul3A_107 = arith.constant 80 : i32
        %mul3A_108 = arith.muli %add3A_101, %mul3A_107 : i32
        %add3A_109 = arith.addi %mul3A_6, %mul3A_108 : i32
        %dma_start3A_110 = tpu.memref_slice %arg4[%add3A_109] : memref<322560xi32, #tpu.memory_space<hbm>> -> memref<80xi32, #tpu.memory_space<hbm>>
        %dma_start3A_111 = tpu.memref_slice %arg4[%add3A_109] : memref<322560xi32, #tpu.memory_space<hbm>> -> memref<80xi32, #tpu.memory_space<hbm>>
        tpu.enqueue_dma source(%dma_start3A_111 : memref<80xi32, #tpu.memory_space<hbm>>) target(%arg8 : memref<80xi32, #tpu.memory_space<vmem>>) target_semaphore(%arg12 : memref<!tpu.dma_semaphore, #tpu.memory_space<semaphore_mem>>)
      } else {
      }
      %add3A_81 = arith.constant 1 : i32
      %add3A_82 = arith.addi %mul3A_51, %add3A_81 : i32
      %mul3A_83 = arith.constant 80 : i32
      %mul3A_84 = arith.muli %add3A_82, %mul3A_83 : i32
      %add3A_85 = arith.addi %mul3A_6, %mul3A_84 : i32
      %dma_wait3A_86 = tpu.memref_slice %arg3[%add3A_85] : memref<322560xi32, #tpu.memory_space<hbm>> -> memref<80xi32, #tpu.memory_space<hbm>>
      %dma_wait3A_87 = tpu.memref_slice %arg3[%add3A_85] : memref<322560xi32, #tpu.memory_space<hbm>> -> memref<80xi32, #tpu.memory_space<hbm>>
      tpu.wait_dma2 semaphore(%arg13 : memref<!tpu.dma_semaphore, #tpu.memory_space<semaphore_mem>>) src(%dma_wait3A_87 : memref<80xi32, #tpu.memory_space<hbm>>) dst(%arg7 : memref<80xi32, #tpu.memory_space<vmem>>)
      %mul3A_88 = arith.constant 80 : i32
      %mul3A_89 = arith.muli %add3A_82, %mul3A_88 : i32
      %add3A_90 = arith.addi %mul3A_6, %mul3A_89 : i32
      %dma_wait3A_91 = tpu.memref_slice %arg4[%add3A_90] : memref<322560xi32, #tpu.memory_space<hbm>> -> memref<80xi32, #tpu.memory_space<hbm>>
      %dma_wait3A_92 = tpu.memref_slice %arg4[%add3A_90] : memref<322560xi32, #tpu.memory_space<hbm>> -> memref<80xi32, #tpu.memory_space<hbm>>
      tpu.wait_dma2 semaphore(%arg13 : memref<!tpu.dma_semaphore, #tpu.memory_space<semaphore_mem>>) src(%dma_wait3A_92 : memref<80xi32, #tpu.memory_space<hbm>>) dst(%arg9 : memref<80xi32, #tpu.memory_space<vmem>>)
      %dma_start3A_93 = arith.constant 0 : i32
      %dma_start3A_94 = arith.constant 0 : i32
      %dma_start3A_95 = tpu.memref_slice %arg2[%dma_start3A_93, %dma_start3A_94] : memref<10000x128xf32, #tpu.memory_space<hbm>> -> memref<10000x128xf32, #tpu.memory_space<hbm>>
      tpu.enqueue_indirect_dma source(%dma_start3A_95 : memref<10000x128xf32, #tpu.memory_space<hbm>>) target(%arg10 : memref<80x128xf32, #tpu.memory_space<vmem>>) offsets(%arg7 : memref<80xi32, #tpu.memory_space<vmem>>) semaphore(%arg14 : memref<!tpu.dma_semaphore, #tpu.memory_space<semaphore_mem>>)
      %dma_wait3A_96 = arith.constant 0 : i32
      %dma_wait3A_97 = arith.constant 0 : i32
      %dma_wait3A_98 = tpu.memref_slice %arg2[%dma_wait3A_96, %dma_wait3A_97] : memref<10000x128xf32, #tpu.memory_space<hbm>> -> memref<10000x128xf32, #tpu.memory_space<hbm>>
      tpu.wait_indirect_dma semaphore(%arg14 : memref<!tpu.dma_semaphore, #tpu.memory_space<semaphore_mem>>) src(%dma_wait3A_98 : memref<10000x128xf32, #tpu.memory_space<hbm>>) dst(%arg10 : memref<80x128xf32, #tpu.memory_space<vmem>>)
      "tpu.region"() ({
        %run_scoped3A = tpu.sem_alloc : memref<!tpu.dma_semaphore, #tpu.memory_space<semaphore_mem>>
        %dma_start3A_100 = arith.constant 0 : i32
        %dma_start3A_101 = arith.constant 0 : i32
        %dma_start3A_102 = tpu.memref_slice %arg11[%dma_start3A_100, %dma_start3A_101] : memref<10240x128xf32, #tpu.memory_space<vmem_shared>> -> memref<10240x128xf32, #tpu.memory_space<vmem_shared>>
        tpu.enqueue_indirect_dma source(%arg10 : memref<80x128xf32, #tpu.memory_space<vmem>>) target(%dma_start3A_102 : memref<10240x128xf32, #tpu.memory_space<vmem_shared>>) offsets(%arg9 : memref<80xi32, #tpu.memory_space<vmem>>) semaphore(%run_scoped3A : memref<!tpu.dma_semaphore, #tpu.memory_space<semaphore_mem>>) {add = true}
        %dma_wait3A_103 = arith.constant 0 : i32
        %dma_wait3A_104 = arith.constant 0 : i32
        %dma_wait3A_105 = tpu.memref_slice %arg11[%dma_wait3A_103, %dma_wait3A_104] : memref<10240x128xf32, #tpu.memory_space<vmem_shared>> -> memref<10240x128xf32, #tpu.memory_space<vmem_shared>>
        tpu.wait_indirect_dma semaphore(%run_scoped3A : memref<!tpu.dma_semaphore, #tpu.memory_space<semaphore_mem>>) src(%arg10 : memref<80x128xf32, #tpu.memory_space<vmem>>) dst(%dma_wait3A_105 : memref<10240x128xf32, #tpu.memory_space<vmem_shared>>)
        tpu.yield
      }) : () -> ()
      %while3A_99 = arith.constant 0 : i32
      scf.yield %while3A_99 : i32
    }
    %barrier3A_43 = arith.constant 0 : index
    tpu.barrier barrier_id(%barrier3A_43)
    %mul3A_44 = arith.constant 640 : i32
    %mul3A_45 = arith.muli %arg1, %mul3A_44 : i32
    %mul3A_46 = arith.constant 640 : i32
    %mul3A_47 = arith.muli %arg1, %mul3A_46 : i32
    "tpu.region"() ({
      %run_scoped3A = tpu.sem_alloc : memref<!tpu.dma_semaphore, #tpu.memory_space<semaphore_mem>>
      %dma_start3A_48 = arith.constant 0 : i32
      %dma_start3A_49 = tpu.memref_slice %arg5[%arg0, %mul3A_47, %dma_start3A_48] : memref<2x10240x128xf32, #tpu.memory_space<hbm>> -> memref<1x640x128xf32, #tpu.memory_space<hbm>>
      %dma_start3A_50 = tpu.memref_squeeze %dma_start3A_49 : memref<1x640x128xf32, #tpu.memory_space<hbm>> -> memref<640x128xf32, #tpu.memory_space<hbm>>
      %dma_start3A_51 = arith.constant 0 : i32
      %dma_start3A_52 = tpu.memref_slice %arg11[%mul3A_45, %dma_start3A_51] : memref<10240x128xf32, #tpu.memory_space<vmem_shared>> -> memref<640x128xf32, #tpu.memory_space<vmem_shared>>
      tpu.enqueue_dma source(%dma_start3A_52 : memref<640x128xf32, #tpu.memory_space<vmem_shared>>) target(%dma_start3A_50 : memref<640x128xf32, #tpu.memory_space<hbm>>) target_semaphore(%run_scoped3A : memref<!tpu.dma_semaphore, #tpu.memory_space<semaphore_mem>>)
      %dma_wait3A = arith.constant 0 : i32
      %dma_wait3A_53 = tpu.memref_slice %arg5[%arg0, %mul3A_47, %dma_wait3A] : memref<2x10240x128xf32, #tpu.memory_space<hbm>> -> memref<1x640x128xf32, #tpu.memory_space<hbm>>
      %dma_wait3A_54 = tpu.memref_squeeze %dma_wait3A_53 : memref<1x640x128xf32, #tpu.memory_space<hbm>> -> memref<640x128xf32, #tpu.memory_space<hbm>>
      %dma_wait3A_55 = arith.constant 0 : i32
      %dma_wait3A_56 = tpu.memref_slice %arg11[%mul3A_45, %dma_wait3A_55] : memref<10240x128xf32, #tpu.memory_space<vmem_shared>> -> memref<640x128xf32, #tpu.memory_space<vmem_shared>>
      tpu.wait_dma2 semaphore(%run_scoped3A : memref<!tpu.dma_semaphore, #tpu.memory_space<semaphore_mem>>) src(%dma_wait3A_56 : memref<640x128xf32, #tpu.memory_space<vmem_shared>>) dst(%dma_wait3A_54 : memref<640x128xf32, #tpu.memory_space<hbm>>)
      tpu.yield
    }) : () -> ()
    return
  }
}

#map = affine_map<(d0, d1) -> (0, 0)>
#map1 = affine_map<(d0, d1) -> (0)>
#map2 = affine_map<(d0, d1) -> (0, 0, 0)>
module attributes {stable_mosaic.version = 14 : i64} {
  func.func @edge_kernel(%arg0: i32, %arg1: i32, %arg2: memref<10000x128xf32, #tpu.memory_space<hbm>>, %arg3: memref<322560xi32, #tpu.memory_space<hbm>>, %arg4: memref<322560xi32, #tpu.memory_space<hbm>>, %arg5: memref<2x10240x128xf32, #tpu.memory_space<hbm>>, %arg6: memref<80xi32, #tpu.memory_space<vmem>>, %arg7: memref<80xi32, #tpu.memory_space<vmem>>, %arg8: memref<80xi32, #tpu.memory_space<vmem>>, %arg9: memref<80xi32, #tpu.memory_space<vmem>>, %arg10: memref<80x128xf32, #tpu.memory_space<vmem>>, %arg11: memref<10240x128xf32, #tpu.memory_space<vmem_shared>>, %arg12: memref<!tpu.dma_semaphore, #tpu.memory_space<semaphore_mem>>, %arg13: memref<!tpu.dma_semaphore, #tpu.memory_space<semaphore_mem>>, %arg14: memref<!tpu.dma_semaphore, #tpu.memory_space<semaphore_mem>>) attributes {dimension_semantics = [#tpu.dimension_semantics<core_parallel>, #tpu.dimension_semantics<subcore_parallel>], iteration_bounds = array<i64: 2, 16>, scalar_prefetch = 0 : i64, scratch_operands = 9 : i64, tpu.core_type = #tpu.core_type<sc_vector_subcore>, window_params = [{transform_indices = #map}, {transform_indices = #map1}, {transform_indices = #map1}, {transform_indices = #map2}]} {
    %eq3A = arith.constant 0 : i32
    %eq3A_0 = arith.cmpi eq, %arg0, %eq3A : i32
    %mul3A = arith.constant 146 : i32
    %mul3A_1 = arith.muli %arg1, %mul3A : i32
    %mul3A_2 = arith.constant 106 : i32
    %mul3A_3 = arith.muli %arg1, %mul3A_2 : i32
    %add3A = arith.constant 2336 : i32
    %add3A_4 = arith.addi %add3A, %mul3A_3 : i32
    %select_n3A = arith.select %eq3A_0, %mul3A_1, %add3A_4 : i32
    %mul3A_5 = arith.constant 80 : i32
    %mul3A_6 = arith.muli %select_n3A, %mul3A_5 : i32
    %eq3A_7 = arith.constant 0 : i32
    %eq3A_8 = arith.cmpi eq, %arg0, %eq3A_7 : i32
    %jit3A = arith.constant 73 : i32
    %jit3A_9 = arith.constant 53 : i32
    %select_n3A_10 = arith.select %eq3A_8, %jit3A, %jit3A_9 : i32
    %add3A_11 = arith.constant 0 : i32
    %add3A_12 = arith.addi %mul3A_6, %add3A_11 : i32
    %dma_start3A = tpu.memref_slice %arg3[%add3A_12] : memref<322560xi32, #tpu.memory_space<hbm>> -> memref<80xi32, #tpu.memory_space<hbm>>
    %dma_start3A_13 = tpu.memref_slice %arg3[%add3A_12] : memref<322560xi32, #tpu.memory_space<hbm>> -> memref<80xi32, #tpu.memory_space<hbm>>
    tpu.enqueue_dma source(%dma_start3A_13 : memref<80xi32, #tpu.memory_space<hbm>>) target(%arg6 : memref<80xi32, #tpu.memory_space<vmem>>) target_semaphore(%arg12 : memref<!tpu.dma_semaphore, #tpu.memory_space<semaphore_mem>>)
    %add3A_14 = arith.constant 0 : i32
    %add3A_15 = arith.addi %mul3A_6, %add3A_14 : i32
    %dma_start3A_16 = tpu.memref_slice %arg4[%add3A_15] : memref<322560xi32, #tpu.memory_space<hbm>> -> memref<80xi32, #tpu.memory_space<hbm>>
    %dma_start3A_17 = tpu.memref_slice %arg4[%add3A_15] : memref<322560xi32, #tpu.memory_space<hbm>> -> memref<80xi32, #tpu.memory_space<hbm>>
    tpu.enqueue_dma source(%dma_start3A_17 : memref<80xi32, #tpu.memory_space<hbm>>) target(%arg8 : memref<80xi32, #tpu.memory_space<vmem>>) target_semaphore(%arg12 : memref<!tpu.dma_semaphore, #tpu.memory_space<semaphore_mem>>)
    %broadcast_in_dim3A = arith.constant 0.000000e+00 : f32
    %broadcast_in_dim3A_18 = vector.broadcast %broadcast_in_dim3A : f32 to vector<16xf32>
    %scan3A = arith.constant 0 : i32
    %scan3A_19 = arith.constant 0 : i32
    %scan3A_20 = arith.constant 80 : i32
    %scan3A_21 = arith.addi %scan3A_19, %scan3A_20 : i32
    %scan3A_22 = arith.constant 1 : i32
    %scan3A_23 = scf.for %scan3A_48 = %scan3A_19 to %scan3A_21 step %scan3A_22 iter_args(%scan3A_49 = %scan3A) -> (i32)  : i32 {
      %scan3A_50 = arith.constant 0 : i32
      %scan3A_51 = arith.constant 0 : i32
      %scan3A_52 = arith.constant 8 : i32
      %scan3A_53 = arith.addi %scan3A_51, %scan3A_52 : i32
      %scan3A_54 = arith.constant 1 : i32
      %scan3A_55 = scf.for %scan3A_57 = %scan3A_51 to %scan3A_53 step %scan3A_54 iter_args(%scan3A_58 = %scan3A_50) -> (i32)  : i32 {
        %mul3A_59 = arith.constant 16 : i32
        %mul3A_60 = arith.muli %scan3A_57, %mul3A_59 : i32
        %swap3A = arith.index_cast %scan3A_48 : i32 to index
        %swap3A_61 = arith.index_cast %mul3A_60 : i32 to index
        %swap3A_62 = tpu.vector_load %arg10[%swap3A, %swap3A_61] {strides = array<i32>} : memref<80x128xf32, #tpu.memory_space<vmem>>, vector<1x16xf32>,
        %swap3A_63 = vector.shape_cast %swap3A_62 : vector<1x16xf32> to vector<16xf32>
        %swap3A_64 = vector.shape_cast %broadcast_in_dim3A_18 : vector<16xf32> to vector<1x16xf32>
        tpu.vector_store %arg10[%swap3A, %swap3A_61], %swap3A_64 {strides = array<i32>} : memref<80x128xf32, #tpu.memory_space<vmem>>, vector<1x16xf32>,
        %scan3A_65 = arith.constant 0 : i32
        scf.yield %scan3A_65 : i32
      }
      %scan3A_56 = arith.constant 8 : i32
      scf.yield %scan3A_55 : i32
    }
    %scan3A_24 = arith.constant 80 : i32
    %scan3A_25 = arith.constant 0 : i32
    %scan3A_26 = arith.constant 0 : i32
    %scan3A_27 = arith.constant 8 : i32
    %scan3A_28 = arith.addi %scan3A_26, %scan3A_27 : i32
    %scan3A_29 = arith.constant 1 : i32
    %scan3A_30 = scf.for %scan3A_48 = %scan3A_26 to %scan3A_28 step %scan3A_29 iter_args(%scan3A_49 = %scan3A_25) -> (i32)  : i32 {
      %mul3A_50 = arith.constant 640 : i32
      %mul3A_51 = arith.muli %arg1, %mul3A_50 : i32
      %mul3A_52 = arith.constant 80 : i32
      %mul3A_53 = arith.muli %scan3A_48, %mul3A_52 : i32
      %add3A_54 = arith.addi %mul3A_51, %mul3A_53 : i32
      "tpu.region"() ({
        %run_scoped3A = tpu.sem_alloc : memref<!tpu.dma_semaphore, #tpu.memory_space<semaphore_mem>>
        %dma_start3A_56 = arith.constant 0 : i32
        %dma_start3A_57 = tpu.memref_slice %arg11[%add3A_54, %dma_start3A_56] : memref<10240x128xf32, #tpu.memory_space<vmem_shared>> -> memref<80x128xf32, #tpu.memory_space<vmem_shared>>
        %dma_start3A_58 = arith.constant 0 : i32
        %dma_start3A_59 = tpu.memref_slice %arg11[%add3A_54, %dma_start3A_58] : memref<10240x128xf32, #tpu.memory_space<vmem_shared>> -> memref<80x128xf32, #tpu.memory_space<vmem_shared>>
        tpu.enqueue_dma source(%arg10 : memref<80x128xf32, #tpu.memory_space<vmem>>) target(%dma_start3A_59 : memref<80x128xf32, #tpu.memory_space<vmem_shared>>) target_semaphore(%run_scoped3A : memref<!tpu.dma_semaphore, #tpu.memory_space<semaphore_mem>>)
        %dma_wait3A = arith.constant 0 : i32
        %dma_wait3A_60 = tpu.memref_slice %arg11[%add3A_54, %dma_wait3A] : memref<10240x128xf32, #tpu.memory_space<vmem_shared>> -> memref<80x128xf32, #tpu.memory_space<vmem_shared>>
        %dma_wait3A_61 = arith.constant 0 : i32
        %dma_wait3A_62 = tpu.memref_slice %arg11[%add3A_54, %dma_wait3A_61] : memref<10240x128xf32, #tpu.memory_space<vmem_shared>> -> memref<80x128xf32, #tpu.memory_space<vmem_shared>>
        tpu.wait_dma2 semaphore(%run_scoped3A : memref<!tpu.dma_semaphore, #tpu.memory_space<semaphore_mem>>) src(%arg10 : memref<80x128xf32, #tpu.memory_space<vmem>>) dst(%dma_wait3A_62 : memref<80x128xf32, #tpu.memory_space<vmem_shared>>)
        tpu.yield
      }) : () -> ()
      %scan3A_55 = arith.constant 0 : i32
      scf.yield %scan3A_55 : i32
    }
    %scan3A_31 = arith.constant 8 : i32
    %barrier3A = arith.constant 0 : index
    tpu.barrier barrier_id(%barrier3A)
    %while3A = arith.constant 0 : i32
    %while3A_32 = arith.constant 0 : i32
    %while3A_33 = arith.subi %select_n3A_10, %while3A : i32
    %while3A_34 = arith.addi %while3A, %while3A_33 : i32
    %while3A_35 = arith.constant 1 : i32
    %while3A_36 = arith.divsi %while3A_33, %while3A_35 : i32
    %while3A_37 = arith.muli %while3A_36, %while3A_35 : i32
    %while3A_38 = arith.addi %while3A, %while3A_37 : i32
    %while3A_39 = arith.constant 1 : i32
    %while3A_40 = scf.for %while3A_48 = %while3A to %while3A_38 step %while3A_39 iter_args(%while3A_49 = %while3A_32) -> (i32)  : i32 {
      %mul3A_50 = arith.constant 2 : i32
      %mul3A_51 = arith.muli %mul3A_50, %while3A_48 : i32
      %add3A_52 = arith.constant 1 : i32
      %add3A_53 = arith.addi %mul3A_51, %add3A_52 : i32
      %mul3A_54 = arith.constant 80 : i32
      %mul3A_55 = arith.muli %add3A_53, %mul3A_54 : i32
      %add3A_56 = arith.addi %mul3A_6, %mul3A_55 : i32
      %dma_start3A_57 = tpu.memref_slice %arg3[%add3A_56] : memref<322560xi32, #tpu.memory_space<hbm>> -> memref<80xi32, #tpu.memory_space<hbm>>
      %dma_start3A_58 = tpu.memref_slice %arg3[%add3A_56] : memref<322560xi32, #tpu.memory_space<hbm>> -> memref<80xi32, #tpu.memory_space<hbm>>
      tpu.enqueue_dma source(%dma_start3A_58 : memref<80xi32, #tpu.memory_space<hbm>>) target(%arg7 : memref<80xi32, #tpu.memory_space<vmem>>) target_semaphore(%arg13 : memref<!tpu.dma_semaphore, #tpu.memory_space<semaphore_mem>>)
      %mul3A_59 = arith.constant 80 : i32
      %mul3A_60 = arith.muli %add3A_53, %mul3A_59 : i32
      %add3A_61 = arith.addi %mul3A_6, %mul3A_60 : i32
      %dma_start3A_62 = tpu.memref_slice %arg4[%add3A_61] : memref<322560xi32, #tpu.memory_space<hbm>> -> memref<80xi32, #tpu.memory_space<hbm>>
      %dma_start3A_63 = tpu.memref_slice %arg4[%add3A_61] : memref<322560xi32, #tpu.memory_space<hbm>> -> memref<80xi32, #tpu.memory_space<hbm>>
      tpu.enqueue_dma source(%dma_start3A_63 : memref<80xi32, #tpu.memory_space<hbm>>) target(%arg9 : memref<80xi32, #tpu.memory_space<vmem>>) target_semaphore(%arg13 : memref<!tpu.dma_semaphore, #tpu.memory_space<semaphore_mem>>)
      %mul3A_64 = arith.constant 80 : i32
      %mul3A_65 = arith.muli %mul3A_51, %mul3A_64 : i32
      %add3A_66 = arith.addi %mul3A_6, %mul3A_65 : i32
      %dma_wait3A = tpu.memref_slice %arg3[%add3A_66] : memref<322560xi32, #tpu.memory_space<hbm>> -> memref<80xi32, #tpu.memory_space<hbm>>
      %dma_wait3A_67 = tpu.memref_slice %arg3[%add3A_66] : memref<322560xi32, #tpu.memory_space<hbm>> -> memref<80xi32, #tpu.memory_space<hbm>>
      tpu.wait_dma2 semaphore(%arg12 : memref<!tpu.dma_semaphore, #tpu.memory_space<semaphore_mem>>) src(%dma_wait3A_67 : memref<80xi32, #tpu.memory_space<hbm>>) dst(%arg6 : memref<80xi32, #tpu.memory_space<vmem>>)
      %mul3A_68 = arith.constant 80 : i32
      %mul3A_69 = arith.muli %mul3A_51, %mul3A_68 : i32
      %add3A_70 = arith.addi %mul3A_6, %mul3A_69 : i32
      %dma_wait3A_71 = tpu.memref_slice %arg4[%add3A_70] : memref<322560xi32, #tpu.memory_space<hbm>> -> memref<80xi32, #tpu.memory_space<hbm>>
      %dma_wait3A_72 = tpu.memref_slice %arg4[%add3A_70] : memref<322560xi32, #tpu.memory_space<hbm>> -> memref<80xi32, #tpu.memory_space<hbm>>
      tpu.wait_dma2 semaphore(%arg12 : memref<!tpu.dma_semaphore, #tpu.memory_space<semaphore_mem>>) src(%dma_wait3A_72 : memref<80xi32, #tpu.memory_space<hbm>>) dst(%arg8 : memref<80xi32, #tpu.memory_space<vmem>>)
      %dma_start3A_73 = arith.constant 0 : i32
      %dma_start3A_74 = arith.constant 0 : i32
      %dma_start3A_75 = tpu.memref_slice %arg2[%dma_start3A_73, %dma_start3A_74] : memref<10000x128xf32, #tpu.memory_space<hbm>> -> memref<10000x128xf32, #tpu.memory_space<hbm>>
      tpu.enqueue_indirect_dma source(%dma_start3A_75 : memref<10000x128xf32, #tpu.memory_space<hbm>>) target(%arg10 : memref<80x128xf32, #tpu.memory_space<vmem>>) offsets(%arg6 : memref<80xi32, #tpu.memory_space<vmem>>) semaphore(%arg14 : memref<!tpu.dma_semaphore, #tpu.memory_space<semaphore_mem>>)
      %dma_wait3A_76 = arith.constant 0 : i32
      %dma_wait3A_77 = arith.constant 0 : i32
      %dma_wait3A_78 = tpu.memref_slice %arg2[%dma_wait3A_76, %dma_wait3A_77] : memref<10000x128xf32, #tpu.memory_space<hbm>> -> memref<10000x128xf32, #tpu.memory_space<hbm>>
      tpu.wait_indirect_dma semaphore(%arg14 : memref<!tpu.dma_semaphore, #tpu.memory_space<semaphore_mem>>) src(%dma_wait3A_78 : memref<10000x128xf32, #tpu.memory_space<hbm>>) dst(%arg10 : memref<80x128xf32, #tpu.memory_space<vmem>>)
      "tpu.region"() ({
        %run_scoped3A = tpu.sem_alloc : memref<!tpu.dma_semaphore, #tpu.memory_space<semaphore_mem>>
        %dma_start3A_100 = arith.constant 0 : i32
        %dma_start3A_101 = arith.constant 0 : i32
        %dma_start3A_102 = tpu.memref_slice %arg11[%dma_start3A_100, %dma_start3A_101] : memref<10240x128xf32, #tpu.memory_space<vmem_shared>> -> memref<10240x128xf32, #tpu.memory_space<vmem_shared>>
        tpu.enqueue_indirect_dma source(%arg10 : memref<80x128xf32, #tpu.memory_space<vmem>>) target(%dma_start3A_102 : memref<10240x128xf32, #tpu.memory_space<vmem_shared>>) offsets(%arg8 : memref<80xi32, #tpu.memory_space<vmem>>) semaphore(%run_scoped3A : memref<!tpu.dma_semaphore, #tpu.memory_space<semaphore_mem>>) {add = true}
        %dma_wait3A_103 = arith.constant 0 : i32
        %dma_wait3A_104 = arith.constant 0 : i32
        %dma_wait3A_105 = tpu.memref_slice %arg11[%dma_wait3A_103, %dma_wait3A_104] : memref<10240x128xf32, #tpu.memory_space<vmem_shared>> -> memref<10240x128xf32, #tpu.memory_space<vmem_shared>>
        tpu.wait_indirect_dma semaphore(%run_scoped3A : memref<!tpu.dma_semaphore, #tpu.memory_space<semaphore_mem>>) src(%arg10 : memref<80x128xf32, #tpu.memory_space<vmem>>) dst(%dma_wait3A_105 : memref<10240x128xf32, #tpu.memory_space<vmem_shared>>)
        tpu.yield
      }) : () -> ()
      %sub3A = arith.constant 1 : i32
      %sub3A_79 = arith.subi %select_n3A_10, %sub3A : i32
      %lt3A = arith.cmpi slt, %while3A_48, %sub3A_79 : i32
      %convert_element_type3A = arith.extui %lt3A : i1 to i32
      %cond3A = arith.constant 0 : i32
      %cond3A_80 = arith.cmpi ne, %convert_element_type3A, %cond3A : i32
      scf.if %cond3A_80 {
        %add3A_100 = arith.constant 2 : i32
        %add3A_101 = arith.addi %mul3A_51, %add3A_100 : i32
        %mul3A_102 = arith.constant 80 : i32
        %mul3A_103 = arith.muli %add3A_101, %mul3A_102 : i32
        %add3A_104 = arith.addi %mul3A_6, %mul3A_103 : i32
        %dma_start3A_105 = tpu.memref_slice %arg3[%add3A_104] : memref<322560xi32, #tpu.memory_space<hbm>> -> memref<80xi32, #tpu.memory_space<hbm>>
        %dma_start3A_106 = tpu.memref_slice %arg3[%add3A_104] : memref<322560xi32, #tpu.memory_space<hbm>> -> memref<80xi32, #tpu.memory_space<hbm>>
        tpu.enqueue_dma source(%dma_start3A_106 : memref<80xi32, #tpu.memory_space<hbm>>) target(%arg6 : memref<80xi32, #tpu.memory_space<vmem>>) target_semaphore(%arg12 : memref<!tpu.dma_semaphore, #tpu.memory_space<semaphore_mem>>)
        %mul3A_107 = arith.constant 80 : i32
        %mul3A_108 = arith.muli %add3A_101, %mul3A_107 : i32
        %add3A_109 = arith.addi %mul3A_6, %mul3A_108 : i32
        %dma_start3A_110 = tpu.memref_slice %arg4[%add3A_109] : memref<322560xi32, #tpu.memory_space<hbm>> -> memref<80xi32, #tpu.memory_space<hbm>>
        %dma_start3A_111 = tpu.memref_slice %arg4[%add3A_109] : memref<322560xi32, #tpu.memory_space<hbm>> -> memref<80xi32, #tpu.memory_space<hbm>>
        tpu.enqueue_dma source(%dma_start3A_111 : memref<80xi32, #tpu.memory_space<hbm>>) target(%arg8 : memref<80xi32, #tpu.memory_space<vmem>>) target_semaphore(%arg12 : memref<!tpu.dma_semaphore, #tpu.memory_space<semaphore_mem>>)
      } else {
      }
      %add3A_81 = arith.constant 1 : i32
      %add3A_82 = arith.addi %mul3A_51, %add3A_81 : i32
      %mul3A_83 = arith.constant 80 : i32
      %mul3A_84 = arith.muli %add3A_82, %mul3A_83 : i32
      %add3A_85 = arith.addi %mul3A_6, %mul3A_84 : i32
      %dma_wait3A_86 = tpu.memref_slice %arg3[%add3A_85] : memref<322560xi32, #tpu.memory_space<hbm>> -> memref<80xi32, #tpu.memory_space<hbm>>
      %dma_wait3A_87 = tpu.memref_slice %arg3[%add3A_85] : memref<322560xi32, #tpu.memory_space<hbm>> -> memref<80xi32, #tpu.memory_space<hbm>>
      tpu.wait_dma2 semaphore(%arg13 : memref<!tpu.dma_semaphore, #tpu.memory_space<semaphore_mem>>) src(%dma_wait3A_87 : memref<80xi32, #tpu.memory_space<hbm>>) dst(%arg7 : memref<80xi32, #tpu.memory_space<vmem>>)
      %mul3A_88 = arith.constant 80 : i32
      %mul3A_89 = arith.muli %add3A_82, %mul3A_88 : i32
      %add3A_90 = arith.addi %mul3A_6, %mul3A_89 : i32
      %dma_wait3A_91 = tpu.memref_slice %arg4[%add3A_90] : memref<322560xi32, #tpu.memory_space<hbm>> -> memref<80xi32, #tpu.memory_space<hbm>>
      %dma_wait3A_92 = tpu.memref_slice %arg4[%add3A_90] : memref<322560xi32, #tpu.memory_space<hbm>> -> memref<80xi32, #tpu.memory_space<hbm>>
      tpu.wait_dma2 semaphore(%arg13 : memref<!tpu.dma_semaphore, #tpu.memory_space<semaphore_mem>>) src(%dma_wait3A_92 : memref<80xi32, #tpu.memory_space<hbm>>) dst(%arg9 : memref<80xi32, #tpu.memory_space<vmem>>)
      %dma_start3A_93 = arith.constant 0 : i32
      %dma_start3A_94 = arith.constant 0 : i32
      %dma_start3A_95 = tpu.memref_slice %arg2[%dma_start3A_93, %dma_start3A_94] : memref<10000x128xf32, #tpu.memory_space<hbm>> -> memref<10000x128xf32, #tpu.memory_space<hbm>>
      tpu.enqueue_indirect_dma source(%dma_start3A_95 : memref<10000x128xf32, #tpu.memory_space<hbm>>) target(%arg10 : memref<80x128xf32, #tpu.memory_space<vmem>>) offsets(%arg7 : memref<80xi32, #tpu.memory_space<vmem>>) semaphore(%arg14 : memref<!tpu.dma_semaphore, #tpu.memory_space<semaphore_mem>>)
      %dma_wait3A_96 = arith.constant 0 : i32
      %dma_wait3A_97 = arith.constant 0 : i32
      %dma_wait3A_98 = tpu.memref_slice %arg2[%dma_wait3A_96, %dma_wait3A_97] : memref<10000x128xf32, #tpu.memory_space<hbm>> -> memref<10000x128xf32, #tpu.memory_space<hbm>>
      tpu.wait_indirect_dma semaphore(%arg14 : memref<!tpu.dma_semaphore, #tpu.memory_space<semaphore_mem>>) src(%dma_wait3A_98 : memref<10000x128xf32, #tpu.memory_space<hbm>>) dst(%arg10 : memref<80x128xf32, #tpu.memory_space<vmem>>)
      "tpu.region"() ({
        %run_scoped3A = tpu.sem_alloc : memref<!tpu.dma_semaphore, #tpu.memory_space<semaphore_mem>>
        %dma_start3A_100 = arith.constant 0 : i32
        %dma_start3A_101 = arith.constant 0 : i32
        %dma_start3A_102 = tpu.memref_slice %arg11[%dma_start3A_100, %dma_start3A_101] : memref<10240x128xf32, #tpu.memory_space<vmem_shared>> -> memref<10240x128xf32, #tpu.memory_space<vmem_shared>>
        tpu.enqueue_indirect_dma source(%arg10 : memref<80x128xf32, #tpu.memory_space<vmem>>) target(%dma_start3A_102 : memref<10240x128xf32, #tpu.memory_space<vmem_shared>>) offsets(%arg9 : memref<80xi32, #tpu.memory_space<vmem>>) semaphore(%run_scoped3A : memref<!tpu.dma_semaphore, #tpu.memory_space<semaphore_mem>>) {add = true}
        %dma_wait3A_103 = arith.constant 0 : i32
        %dma_wait3A_104 = arith.constant 0 : i32
        %dma_wait3A_105 = tpu.memref_slice %arg11[%dma_wait3A_103, %dma_wait3A_104] : memref<10240x128xf32, #tpu.memory_space<vmem_shared>> -> memref<10240x128xf32, #tpu.memory_space<vmem_shared>>
        tpu.wait_indirect_dma semaphore(%run_scoped3A : memref<!tpu.dma_semaphore, #tpu.memory_space<semaphore_mem>>) src(%arg10 : memref<80x128xf32, #tpu.memory_space<vmem>>) dst(%dma_wait3A_105 : memref<10240x128xf32, #tpu.memory_space<vmem_shared>>)
        tpu.yield
      }) : () -> ()
      %while3A_99 = arith.constant 0 : i32
      scf.yield %while3A_99 : i32
    }
    %while3A_41 = arith.constant 1 : i32
    %while3A_42 = scf.for %while3A_48 = %while3A_38 to %while3A_34 step %while3A_41 iter_args(%while3A_49 = %while3A_40) -> (i32)  : i32 {
      %mul3A_50 = arith.constant 2 : i32
      %mul3A_51 = arith.muli %mul3A_50, %while3A_48 : i32
      %add3A_52 = arith.constant 1 : i32
      %add3A_53 = arith.addi %mul3A_51, %add3A_52 : i32
      %mul3A_54 = arith.constant 80 : i32
      %mul3A_55 = arith.muli %add3A_53, %mul3A_54 : i32
      %add3A_56 = arith.addi %mul3A_6, %mul3A_55 : i32
      %dma_start3A_57 = tpu.memref_slice %arg3[%add3A_56] : memref<322560xi32, #tpu.memory_space<hbm>> -> memref<80xi32, #tpu.memory_space<hbm>>
      %dma_start3A_58 = tpu.memref_slice %arg3[%add3A_56] : memref<322560xi32, #tpu.memory_space<hbm>> -> memref<80xi32, #tpu.memory_space<hbm>>
      tpu.enqueue_dma source(%dma_start3A_58 : memref<80xi32, #tpu.memory_space<hbm>>) target(%arg7 : memref<80xi32, #tpu.memory_space<vmem>>) target_semaphore(%arg13 : memref<!tpu.dma_semaphore, #tpu.memory_space<semaphore_mem>>)
      %mul3A_59 = arith.constant 80 : i32
      %mul3A_60 = arith.muli %add3A_53, %mul3A_59 : i32
      %add3A_61 = arith.addi %mul3A_6, %mul3A_60 : i32
      %dma_start3A_62 = tpu.memref_slice %arg4[%add3A_61] : memref<322560xi32, #tpu.memory_space<hbm>> -> memref<80xi32, #tpu.memory_space<hbm>>
      %dma_start3A_63 = tpu.memref_slice %arg4[%add3A_61] : memref<322560xi32, #tpu.memory_space<hbm>> -> memref<80xi32, #tpu.memory_space<hbm>>
      tpu.enqueue_dma source(%dma_start3A_63 : memref<80xi32, #tpu.memory_space<hbm>>) target(%arg9 : memref<80xi32, #tpu.memory_space<vmem>>) target_semaphore(%arg13 : memref<!tpu.dma_semaphore, #tpu.memory_space<semaphore_mem>>)
      %mul3A_64 = arith.constant 80 : i32
      %mul3A_65 = arith.muli %mul3A_51, %mul3A_64 : i32
      %add3A_66 = arith.addi %mul3A_6, %mul3A_65 : i32
      %dma_wait3A = tpu.memref_slice %arg3[%add3A_66] : memref<322560xi32, #tpu.memory_space<hbm>> -> memref<80xi32, #tpu.memory_space<hbm>>
      %dma_wait3A_67 = tpu.memref_slice %arg3[%add3A_66] : memref<322560xi32, #tpu.memory_space<hbm>> -> memref<80xi32, #tpu.memory_space<hbm>>
      tpu.wait_dma2 semaphore(%arg12 : memref<!tpu.dma_semaphore, #tpu.memory_space<semaphore_mem>>) src(%dma_wait3A_67 : memref<80xi32, #tpu.memory_space<hbm>>) dst(%arg6 : memref<80xi32, #tpu.memory_space<vmem>>)
      %mul3A_68 = arith.constant 80 : i32
      %mul3A_69 = arith.muli %mul3A_51, %mul3A_68 : i32
      %add3A_70 = arith.addi %mul3A_6, %mul3A_69 : i32
      %dma_wait3A_71 = tpu.memref_slice %arg4[%add3A_70] : memref<322560xi32, #tpu.memory_space<hbm>> -> memref<80xi32, #tpu.memory_space<hbm>>
      %dma_wait3A_72 = tpu.memref_slice %arg4[%add3A_70] : memref<322560xi32, #tpu.memory_space<hbm>> -> memref<80xi32, #tpu.memory_space<hbm>>
      tpu.wait_dma2 semaphore(%arg12 : memref<!tpu.dma_semaphore, #tpu.memory_space<semaphore_mem>>) src(%dma_wait3A_72 : memref<80xi32, #tpu.memory_space<hbm>>) dst(%arg8 : memref<80xi32, #tpu.memory_space<vmem>>)
      %dma_start3A_73 = arith.constant 0 : i32
      %dma_start3A_74 = arith.constant 0 : i32
      %dma_start3A_75 = tpu.memref_slice %arg2[%dma_start3A_73, %dma_start3A_74] : memref<10000x128xf32, #tpu.memory_space<hbm>> -> memref<10000x128xf32, #tpu.memory_space<hbm>>
      tpu.enqueue_indirect_dma source(%dma_start3A_75 : memref<10000x128xf32, #tpu.memory_space<hbm>>) target(%arg10 : memref<80x128xf32, #tpu.memory_space<vmem>>) offsets(%arg6 : memref<80xi32, #tpu.memory_space<vmem>>) semaphore(%arg14 : memref<!tpu.dma_semaphore, #tpu.memory_space<semaphore_mem>>)
      %dma_wait3A_76 = arith.constant 0 : i32
      %dma_wait3A_77 = arith.constant 0 : i32
      %dma_wait3A_78 = tpu.memref_slice %arg2[%dma_wait3A_76, %dma_wait3A_77] : memref<10000x128xf32, #tpu.memory_space<hbm>> -> memref<10000x128xf32, #tpu.memory_space<hbm>>
      tpu.wait_indirect_dma semaphore(%arg14 : memref<!tpu.dma_semaphore, #tpu.memory_space<semaphore_mem>>) src(%dma_wait3A_78 : memref<10000x128xf32, #tpu.memory_space<hbm>>) dst(%arg10 : memref<80x128xf32, #tpu.memory_space<vmem>>)
      "tpu.region"() ({
        %run_scoped3A = tpu.sem_alloc : memref<!tpu.dma_semaphore, #tpu.memory_space<semaphore_mem>>
        %dma_start3A_100 = arith.constant 0 : i32
        %dma_start3A_101 = arith.constant 0 : i32
        %dma_start3A_102 = tpu.memref_slice %arg11[%dma_start3A_100, %dma_start3A_101] : memref<10240x128xf32, #tpu.memory_space<vmem_shared>> -> memref<10240x128xf32, #tpu.memory_space<vmem_shared>>
        tpu.enqueue_indirect_dma source(%arg10 : memref<80x128xf32, #tpu.memory_space<vmem>>) target(%dma_start3A_102 : memref<10240x128xf32, #tpu.memory_space<vmem_shared>>) offsets(%arg8 : memref<80xi32, #tpu.memory_space<vmem>>) semaphore(%run_scoped3A : memref<!tpu.dma_semaphore, #tpu.memory_space<semaphore_mem>>) {add = true}
        %dma_wait3A_103 = arith.constant 0 : i32
        %dma_wait3A_104 = arith.constant 0 : i32
        %dma_wait3A_105 = tpu.memref_slice %arg11[%dma_wait3A_103, %dma_wait3A_104] : memref<10240x128xf32, #tpu.memory_space<vmem_shared>> -> memref<10240x128xf32, #tpu.memory_space<vmem_shared>>
        tpu.wait_indirect_dma semaphore(%run_scoped3A : memref<!tpu.dma_semaphore, #tpu.memory_space<semaphore_mem>>) src(%arg10 : memref<80x128xf32, #tpu.memory_space<vmem>>) dst(%dma_wait3A_105 : memref<10240x128xf32, #tpu.memory_space<vmem_shared>>)
        tpu.yield
      }) : () -> ()
      %sub3A = arith.constant 1 : i32
      %sub3A_79 = arith.subi %select_n3A_10, %sub3A : i32
      %lt3A = arith.cmpi slt, %while3A_48, %sub3A_79 : i32
      %convert_element_type3A = arith.extui %lt3A : i1 to i32
      %cond3A = arith.constant 0 : i32
      %cond3A_80 = arith.cmpi ne, %convert_element_type3A, %cond3A : i32
      scf.if %cond3A_80 {
        %add3A_100 = arith.constant 2 : i32
        %add3A_101 = arith.addi %mul3A_51, %add3A_100 : i32
        %mul3A_102 = arith.constant 80 : i32
        %mul3A_103 = arith.muli %add3A_101, %mul3A_102 : i32
        %add3A_104 = arith.addi %mul3A_6, %mul3A_103 : i32
        %dma_start3A_105 = tpu.memref_slice %arg3[%add3A_104] : memref<322560xi32, #tpu.memory_space<hbm>> -> memref<80xi32, #tpu.memory_space<hbm>>
        %dma_start3A_106 = tpu.memref_slice %arg3[%add3A_104] : memref<322560xi32, #tpu.memory_space<hbm>> -> memref<80xi32, #tpu.memory_space<hbm>>
        tpu.enqueue_dma source(%dma_start3A_106 : memref<80xi32, #tpu.memory_space<hbm>>) target(%arg6 : memref<80xi32, #tpu.memory_space<vmem>>) target_semaphore(%arg12 : memref<!tpu.dma_semaphore, #tpu.memory_space<semaphore_mem>>)
        %mul3A_107 = arith.constant 80 : i32
        %mul3A_108 = arith.muli %add3A_101, %mul3A_107 : i32
        %add3A_109 = arith.addi %mul3A_6, %mul3A_108 : i32
        %dma_start3A_110 = tpu.memref_slice %arg4[%add3A_109] : memref<322560xi32, #tpu.memory_space<hbm>> -> memref<80xi32, #tpu.memory_space<hbm>>
        %dma_start3A_111 = tpu.memref_slice %arg4[%add3A_109] : memref<322560xi32, #tpu.memory_space<hbm>> -> memref<80xi32, #tpu.memory_space<hbm>>
        tpu.enqueue_dma source(%dma_start3A_111 : memref<80xi32, #tpu.memory_space<hbm>>) target(%arg8 : memref<80xi32, #tpu.memory_space<vmem>>) target_semaphore(%arg12 : memref<!tpu.dma_semaphore, #tpu.memory_space<semaphore_mem>>)
      } else {
      }
      %add3A_81 = arith.constant 1 : i32
      %add3A_82 = arith.addi %mul3A_51, %add3A_81 : i32
      %mul3A_83 = arith.constant 80 : i32
      %mul3A_84 = arith.muli %add3A_82, %mul3A_83 : i32
      %add3A_85 = arith.addi %mul3A_6, %mul3A_84 : i32
      %dma_wait3A_86 = tpu.memref_slice %arg3[%add3A_85] : memref<322560xi32, #tpu.memory_space<hbm>> -> memref<80xi32, #tpu.memory_space<hbm>>
      %dma_wait3A_87 = tpu.memref_slice %arg3[%add3A_85] : memref<322560xi32, #tpu.memory_space<hbm>> -> memref<80xi32, #tpu.memory_space<hbm>>
      tpu.wait_dma2 semaphore(%arg13 : memref<!tpu.dma_semaphore, #tpu.memory_space<semaphore_mem>>) src(%dma_wait3A_87 : memref<80xi32, #tpu.memory_space<hbm>>) dst(%arg7 : memref<80xi32, #tpu.memory_space<vmem>>)
      %mul3A_88 = arith.constant 80 : i32
      %mul3A_89 = arith.muli %add3A_82, %mul3A_88 : i32
      %add3A_90 = arith.addi %mul3A_6, %mul3A_89 : i32
      %dma_wait3A_91 = tpu.memref_slice %arg4[%add3A_90] : memref<322560xi32, #tpu.memory_space<hbm>> -> memref<80xi32, #tpu.memory_space<hbm>>
      %dma_wait3A_92 = tpu.memref_slice %arg4[%add3A_90] : memref<322560xi32, #tpu.memory_space<hbm>> -> memref<80xi32, #tpu.memory_space<hbm>>
      tpu.wait_dma2 semaphore(%arg13 : memref<!tpu.dma_semaphore, #tpu.memory_space<semaphore_mem>>) src(%dma_wait3A_92 : memref<80xi32, #tpu.memory_space<hbm>>) dst(%arg9 : memref<80xi32, #tpu.memory_space<vmem>>)
      %dma_start3A_93 = arith.constant 0 : i32
      %dma_start3A_94 = arith.constant 0 : i32
      %dma_start3A_95 = tpu.memref_slice %arg2[%dma_start3A_93, %dma_start3A_94] : memref<10000x128xf32, #tpu.memory_space<hbm>> -> memref<10000x128xf32, #tpu.memory_space<hbm>>
      tpu.enqueue_indirect_dma source(%dma_start3A_95 : memref<10000x128xf32, #tpu.memory_space<hbm>>) target(%arg10 : memref<80x128xf32, #tpu.memory_space<vmem>>) offsets(%arg7 : memref<80xi32, #tpu.memory_space<vmem>>) semaphore(%arg14 : memref<!tpu.dma_semaphore, #tpu.memory_space<semaphore_mem>>)
      %dma_wait3A_96 = arith.constant 0 : i32
      %dma_wait3A_97 = arith.constant 0 : i32
      %dma_wait3A_98 = tpu.memref_slice %arg2[%dma_wait3A_96, %dma_wait3A_97] : memref<10000x128xf32, #tpu.memory_space<hbm>> -> memref<10000x128xf32, #tpu.memory_space<hbm>>
      tpu.wait_indirect_dma semaphore(%arg14 : memref<!tpu.dma_semaphore, #tpu.memory_space<semaphore_mem>>) src(%dma_wait3A_98 : memref<10000x128xf32, #tpu.memory_space<hbm>>) dst(%arg10 : memref<80x128xf32, #tpu.memory_space<vmem>>)
      "tpu.region"() ({
        %run_scoped3A = tpu.sem_alloc : memref<!tpu.dma_semaphore, #tpu.memory_space<semaphore_mem>>
        %dma_start3A_100 = arith.constant 0 : i32
        %dma_start3A_101 = arith.constant 0 : i32
        %dma_start3A_102 = tpu.memref_slice %arg11[%dma_start3A_100, %dma_start3A_101] : memref<10240x128xf32, #tpu.memory_space<vmem_shared>> -> memref<10240x128xf32, #tpu.memory_space<vmem_shared>>
        tpu.enqueue_indirect_dma source(%arg10 : memref<80x128xf32, #tpu.memory_space<vmem>>) target(%dma_start3A_102 : memref<10240x128xf32, #tpu.memory_space<vmem_shared>>) offsets(%arg9 : memref<80xi32, #tpu.memory_space<vmem>>) semaphore(%run_scoped3A : memref<!tpu.dma_semaphore, #tpu.memory_space<semaphore_mem>>) {add = true}
        %dma_wait3A_103 = arith.constant 0 : i32
        %dma_wait3A_104 = arith.constant 0 : i32
        %dma_wait3A_105 = tpu.memref_slice %arg11[%dma_wait3A_103, %dma_wait3A_104] : memref<10240x128xf32, #tpu.memory_space<vmem_shared>> -> memref<10240x128xf32, #tpu.memory_space<vmem_shared>>
        tpu.wait_indirect_dma semaphore(%run_scoped3A : memref<!tpu.dma_semaphore, #tpu.memory_space<semaphore_mem>>) src(%arg10 : memref<80x128xf32, #tpu.memory_space<vmem>>) dst(%dma_wait3A_105 : memref<10240x128xf32, #tpu.memory_space<vmem_shared>>)
        tpu.yield
      }) : () -> ()
      %while3A_99 = arith.constant 0 : i32
      scf.yield %while3A_99 : i32
    }
    %barrier3A_43 = arith.constant 0 : index
    tpu.barrier barrier_id(%barrier3A_43)
    %mul3A_44 = arith.constant 640 : i32
    %mul3A_45 = arith.muli %arg1, %mul3A_44 : i32
    %mul3A_46 = arith.constant 640 : i32
    %mul3A_47 = arith.muli %arg1, %mul3A_46 : i32
    "tpu.region"() ({
      %run_scoped3A = tpu.sem_alloc : memref<!tpu.dma_semaphore, #tpu.memory_space<semaphore_mem>>
      %dma_start3A_48 = arith.constant 0 : i32
      %dma_start3A_49 = tpu.memref_slice %arg5[%arg0, %mul3A_47, %dma_start3A_48] : memref<2x10240x128xf32, #tpu.memory_space<hbm>> -> memref<1x640x128xf32, #tpu.memory_space<hbm>>
      %dma_start3A_50 = tpu.memref_squeeze %dma_start3A_49 : memref<1x640x128xf32, #tpu.memory_space<hbm>> -> memref<640x128xf32, #tpu.memory_space<hbm>>
      %dma_start3A_51 = arith.constant 0 : i32
      %dma_start3A_52 = tpu.memref_slice %arg11[%mul3A_45, %dma_start3A_51] : memref<10240x128xf32, #tpu.memory_space<vmem_shared>> -> memref<640x128xf32, #tpu.memory_space<vmem_shared>>
      tpu.enqueue_dma source(%dma_start3A_52 : memref<640x128xf32, #tpu.memory_space<vmem_shared>>) target(%dma_start3A_50 : memref<640x128xf32, #tpu.memory_space<hbm>>) target_semaphore(%run_scoped3A : memref<!tpu.dma_semaphore, #tpu.memory_space<semaphore_mem>>)
      %dma_wait3A = arith.constant 0 : i32
      %dma_wait3A_53 = tpu.memref_slice %arg5[%arg0, %mul3A_47, %dma_wait3A] : memref<2x10240x128xf32, #tpu.memory_space<hbm>> -> memref<1x640x128xf32, #tpu.memory_space<hbm>>
      %dma_wait3A_54 = tpu.memref_squeeze %dma_wait3A_53 : memref<1x640x128xf32, #tpu.memory_space<hbm>> -> memref<640x128xf32, #tpu.memory_space<hbm>>
      %dma_wait3A_55 = arith.constant 0 : i32
      %dma_wait3A_56 = tpu.memref_slice %arg11[%mul3A_45, %dma_wait3A_55] : memref<10240x128xf32, #tpu.memory_space<vmem_shared>> -> memref<640x128xf32, #tpu.memory_space<vmem_shared>>
      tpu.wait_dma2 semaphore(%run_scoped3A : memref<!tpu.dma_semaphore, #tpu.memory_space<semaphore_mem>>) src(%dma_wait3A_56 : memref<640x128xf32, #tpu.memory_space<vmem_shared>>) dst(%dma_wait3A_54 : memref<640x128xf32, #tpu.memory_space<hbm>>)
      tpu.yield
    }) : () -> ()
    return
  }
}

#map = affine_map<(d0, d1) -> (0)>
#map1 = affine_map<(d0, d1) -> (0, 0, 0)>
module attributes {stable_mosaic.version = 14 : i64} {
  func.func @deg_kernel(%arg0: i32, %arg1: i32, %arg2: memref<322560xi32, #tpu.memory_space<hbm>>, %arg3: memref<2x10240x16xf32, #tpu.memory_space<hbm>>, %arg4: memref<80xi32, #tpu.memory_space<vmem>>, %arg5: memref<80xi32, #tpu.memory_space<vmem>>, %arg6: memref<80x16xf32, #tpu.memory_space<vmem>>, %arg7: memref<10240x16xf32, #tpu.memory_space<vmem_shared>>, %arg8: memref<!tpu.dma_semaphore, #tpu.memory_space<semaphore_mem>>, %arg9: memref<!tpu.dma_semaphore, #tpu.memory_space<semaphore_mem>>) attributes {dimension_semantics = [#tpu.dimension_semantics<core_parallel>, #tpu.dimension_semantics<subcore_parallel>], iteration_bounds = array<i64: 2, 16>, scalar_prefetch = 0 : i64, scratch_operands = 6 : i64, tpu.core_type = #tpu.core_type<sc_vector_subcore>, window_params = [{transform_indices = #map}, {transform_indices = #map1}]} {
    %mul3A = arith.constant 2 : i32
    %mul3A_0 = arith.muli %arg1, %mul3A : i32
    %add3A = arith.addi %mul3A_0, %arg0 : i32
    %mul3A_1 = arith.constant 126 : i32
    %mul3A_2 = arith.muli %add3A, %mul3A_1 : i32
    %mul3A_3 = arith.constant 80 : i32
    %mul3A_4 = arith.muli %mul3A_2, %mul3A_3 : i32
    %add3A_5 = arith.constant 0 : i32
    %add3A_6 = arith.addi %mul3A_4, %add3A_5 : i32
    %dma_start3A = tpu.memref_slice %arg2[%add3A_6] : memref<322560xi32, #tpu.memory_space<hbm>> -> memref<80xi32, #tpu.memory_space<hbm>>
    %dma_start3A_7 = tpu.memref_slice %arg2[%add3A_6] : memref<322560xi32, #tpu.memory_space<hbm>> -> memref<80xi32, #tpu.memory_space<hbm>>
    tpu.enqueue_dma source(%dma_start3A_7 : memref<80xi32, #tpu.memory_space<hbm>>) target(%arg4 : memref<80xi32, #tpu.memory_space<vmem>>) target_semaphore(%arg8 : memref<!tpu.dma_semaphore, #tpu.memory_space<semaphore_mem>>)
    %broadcast_in_dim3A = arith.constant 0.000000e+00 : f32
    %broadcast_in_dim3A_8 = vector.broadcast %broadcast_in_dim3A : f32 to vector<16xf32>
    %scan3A = arith.constant 0 : i32
    %scan3A_9 = arith.constant 0 : i32
    %scan3A_10 = arith.constant 80 : i32
    %scan3A_11 = arith.addi %scan3A_9, %scan3A_10 : i32
    %scan3A_12 = arith.constant 1 : i32
    %scan3A_13 = scf.for %scan3A_43 = %scan3A_9 to %scan3A_11 step %scan3A_12 iter_args(%scan3A_44 = %scan3A) -> (i32)  : i32 {
      %scan3A_45 = arith.constant 0 : i32
      %scan3A_46 = arith.constant 0 : i32
      %mul3A_47 = arith.constant 16 : i32
      %mul3A_48 = arith.muli %scan3A_46, %mul3A_47 : i32
      %swap3A = arith.index_cast %scan3A_43 : i32 to index
      %swap3A_49 = arith.index_cast %mul3A_48 : i32 to index
      %swap3A_50 = tpu.vector_load %arg6[%swap3A, %swap3A_49] {strides = array<i32>} : memref<80x16xf32, #tpu.memory_space<vmem>>, vector<1x16xf32>,
      %swap3A_51 = vector.shape_cast %swap3A_50 : vector<1x16xf32> to vector<16xf32>
      %swap3A_52 = vector.shape_cast %broadcast_in_dim3A_8 : vector<16xf32> to vector<1x16xf32>
      tpu.vector_store %arg6[%swap3A, %swap3A_49], %swap3A_52 {strides = array<i32>} : memref<80x16xf32, #tpu.memory_space<vmem>>, vector<1x16xf32>,
      %scan3A_53 = arith.constant 0 : i32
      %scan3A_54 = arith.constant 1 : i32
      scf.yield %scan3A_53 : i32
    }
    %scan3A_14 = arith.constant 80 : i32
    %scan3A_15 = arith.constant 0 : i32
    %scan3A_16 = arith.constant 0 : i32
    %scan3A_17 = arith.constant 8 : i32
    %scan3A_18 = arith.addi %scan3A_16, %scan3A_17 : i32
    %scan3A_19 = arith.constant 1 : i32
    %scan3A_20 = scf.for %scan3A_43 = %scan3A_16 to %scan3A_18 step %scan3A_19 iter_args(%scan3A_44 = %scan3A_15) -> (i32)  : i32 {
      %mul3A_45 = arith.constant 640 : i32
      %mul3A_46 = arith.muli %arg1, %mul3A_45 : i32
      %mul3A_47 = arith.constant 80 : i32
      %mul3A_48 = arith.muli %scan3A_43, %mul3A_47 : i32
      %add3A_49 = arith.addi %mul3A_46, %mul3A_48 : i32
      "tpu.region"() ({
        %run_scoped3A = tpu.sem_alloc : memref<!tpu.dma_semaphore, #tpu.memory_space<semaphore_mem>>
        %dma_start3A_51 = arith.constant 0 : i32
        %dma_start3A_52 = tpu.memref_slice %arg7[%add3A_49, %dma_start3A_51] : memref<10240x16xf32, #tpu.memory_space<vmem_shared>> -> memref<80x16xf32, #tpu.memory_space<vmem_shared>>
        %dma_start3A_53 = arith.constant 0 : i32
        %dma_start3A_54 = tpu.memref_slice %arg7[%add3A_49, %dma_start3A_53] : memref<10240x16xf32, #tpu.memory_space<vmem_shared>> -> memref<80x16xf32, #tpu.memory_space<vmem_shared>>
        tpu.enqueue_dma source(%arg6 : memref<80x16xf32, #tpu.memory_space<vmem>>) target(%dma_start3A_54 : memref<80x16xf32, #tpu.memory_space<vmem_shared>>) target_semaphore(%run_scoped3A : memref<!tpu.dma_semaphore, #tpu.memory_space<semaphore_mem>>)
        %dma_wait3A = arith.constant 0 : i32
        %dma_wait3A_55 = tpu.memref_slice %arg7[%add3A_49, %dma_wait3A] : memref<10240x16xf32, #tpu.memory_space<vmem_shared>> -> memref<80x16xf32, #tpu.memory_space<vmem_shared>>
        %dma_wait3A_56 = arith.constant 0 : i32
        %dma_wait3A_57 = tpu.memref_slice %arg7[%add3A_49, %dma_wait3A_56] : memref<10240x16xf32, #tpu.memory_space<vmem_shared>> -> memref<80x16xf32, #tpu.memory_space<vmem_shared>>
        tpu.wait_dma2 semaphore(%run_scoped3A : memref<!tpu.dma_semaphore, #tpu.memory_space<semaphore_mem>>) src(%arg6 : memref<80x16xf32, #tpu.memory_space<vmem>>) dst(%dma_wait3A_57 : memref<80x16xf32, #tpu.memory_space<vmem_shared>>)
        tpu.yield
      }) : () -> ()
      %scan3A_50 = arith.constant 0 : i32
      scf.yield %scan3A_50 : i32
    }
    %scan3A_21 = arith.constant 8 : i32
    %broadcast_in_dim3A_22 = arith.constant 1.000000e+00 : f32
    %broadcast_in_dim3A_23 = vector.broadcast %broadcast_in_dim3A_22 : f32 to vector<16xf32>
    %scan3A_24 = arith.constant 0 : i32
    %scan3A_25 = arith.constant 0 : i32
    %scan3A_26 = arith.constant 80 : i32
    %scan3A_27 = arith.addi %scan3A_25, %scan3A_26 : i32
    %scan3A_28 = arith.constant 1 : i32
    %scan3A_29 = scf.for %scan3A_43 = %scan3A_25 to %scan3A_27 step %scan3A_28 iter_args(%scan3A_44 = %scan3A_24) -> (i32)  : i32 {
      %swap3A = arith.index_cast %scan3A_43 : i32 to index
      %swap3A_45 = arith.constant 0 : index
      %swap3A_46 = tpu.vector_load %arg6[%swap3A, %swap3A_45] {strides = array<i32>} : memref<80x16xf32, #tpu.memory_space<vmem>>, vector<1x16xf32>,
      %swap3A_47 = vector.shape_cast %swap3A_46 : vector<1x16xf32> to vector<16xf32>
      %swap3A_48 = vector.shape_cast %broadcast_in_dim3A_23 : vector<16xf32> to vector<1x16xf32>
      tpu.vector_store %arg6[%swap3A, %swap3A_45], %swap3A_48 {strides = array<i32>} : memref<80x16xf32, #tpu.memory_space<vmem>>, vector<1x16xf32>,
      %scan3A_49 = arith.constant 0 : i32
      scf.yield %scan3A_49 : i32
    }
    %scan3A_30 = arith.constant 80 : i32
    %barrier3A = arith.constant 0 : index
    tpu.barrier barrier_id(%barrier3A)
    %scan3A_31 = arith.constant 0 : i32
    %scan3A_32 = arith.constant 0 : i32
    %scan3A_33 = arith.constant 63 : i32
    %scan3A_34 = arith.addi %scan3A_32, %scan3A_33 : i32
    %scan3A_35 = arith.constant 1 : i32
    %scan3A_36 = scf.for %scan3A_43 = %scan3A_32 to %scan3A_34 step %scan3A_35 iter_args(%scan3A_44 = %scan3A_31) -> (i32)  : i32 {
      %mul3A_45 = arith.constant 2 : i32
      %mul3A_46 = arith.muli %mul3A_45, %scan3A_43 : i32
      %add3A_47 = arith.constant 1 : i32
      %add3A_48 = arith.addi %mul3A_46, %add3A_47 : i32
      %mul3A_49 = arith.constant 80 : i32
      %mul3A_50 = arith.muli %add3A_48, %mul3A_49 : i32
      %add3A_51 = arith.addi %mul3A_4, %mul3A_50 : i32
      %dma_start3A_52 = tpu.memref_slice %arg2[%add3A_51] : memref<322560xi32, #tpu.memory_space<hbm>> -> memref<80xi32, #tpu.memory_space<hbm>>
      %dma_start3A_53 = tpu.memref_slice %arg2[%add3A_51] : memref<322560xi32, #tpu.memory_space<hbm>> -> memref<80xi32, #tpu.memory_space<hbm>>
      tpu.enqueue_dma source(%dma_start3A_53 : memref<80xi32, #tpu.memory_space<hbm>>) target(%arg5 : memref<80xi32, #tpu.memory_space<vmem>>) target_semaphore(%arg9 : memref<!tpu.dma_semaphore, #tpu.memory_space<semaphore_mem>>)
      %mul3A_54 = arith.constant 80 : i32
      %mul3A_55 = arith.muli %mul3A_46, %mul3A_54 : i32
      %add3A_56 = arith.addi %mul3A_4, %mul3A_55 : i32
      %dma_wait3A = tpu.memref_slice %arg2[%add3A_56] : memref<322560xi32, #tpu.memory_space<hbm>> -> memref<80xi32, #tpu.memory_space<hbm>>
      %dma_wait3A_57 = tpu.memref_slice %arg2[%add3A_56] : memref<322560xi32, #tpu.memory_space<hbm>> -> memref<80xi32, #tpu.memory_space<hbm>>
      tpu.wait_dma2 semaphore(%arg8 : memref<!tpu.dma_semaphore, #tpu.memory_space<semaphore_mem>>) src(%dma_wait3A_57 : memref<80xi32, #tpu.memory_space<hbm>>) dst(%arg4 : memref<80xi32, #tpu.memory_space<vmem>>)
      "tpu.region"() ({
        %run_scoped3A = tpu.sem_alloc : memref<!tpu.dma_semaphore, #tpu.memory_space<semaphore_mem>>
        %dma_start3A_68 = arith.constant 0 : i32
        %dma_start3A_69 = arith.constant 0 : i32
        %dma_start3A_70 = tpu.memref_slice %arg7[%dma_start3A_68, %dma_start3A_69] : memref<10240x16xf32, #tpu.memory_space<vmem_shared>> -> memref<10240x16xf32, #tpu.memory_space<vmem_shared>>
        tpu.enqueue_indirect_dma source(%arg6 : memref<80x16xf32, #tpu.memory_space<vmem>>) target(%dma_start3A_70 : memref<10240x16xf32, #tpu.memory_space<vmem_shared>>) offsets(%arg4 : memref<80xi32, #tpu.memory_space<vmem>>) semaphore(%run_scoped3A : memref<!tpu.dma_semaphore, #tpu.memory_space<semaphore_mem>>) {add = true}
        %dma_wait3A_71 = arith.constant 0 : i32
        %dma_wait3A_72 = arith.constant 0 : i32
        %dma_wait3A_73 = tpu.memref_slice %arg7[%dma_wait3A_71, %dma_wait3A_72] : memref<10240x16xf32, #tpu.memory_space<vmem_shared>> -> memref<10240x16xf32, #tpu.memory_space<vmem_shared>>
        tpu.wait_indirect_dma semaphore(%run_scoped3A : memref<!tpu.dma_semaphore, #tpu.memory_space<semaphore_mem>>) src(%arg6 : memref<80x16xf32, #tpu.memory_space<vmem>>) dst(%dma_wait3A_73 : memref<10240x16xf32, #tpu.memory_space<vmem_shared>>)
        tpu.yield
      }) : () -> ()
      %lt3A = arith.constant 62 : i32
      %lt3A_58 = arith.cmpi slt, %scan3A_43, %lt3A : i32
      %convert_element_type3A = arith.extui %lt3A_58 : i1 to i32
      %cond3A = arith.constant 0 : i32
      %cond3A_59 = arith.cmpi ne, %convert_element_type3A, %cond3A : i32
      scf.if %cond3A_59 {
        %add3A_68 = arith.constant 2 : i32
        %add3A_69 = arith.addi %mul3A_46, %add3A_68 : i32
        %mul3A_70 = arith.constant 80 : i32
        %mul3A_71 = arith.muli %add3A_69, %mul3A_70 : i32
        %add3A_72 = arith.addi %mul3A_4, %mul3A_71 : i32
        %dma_start3A_73 = tpu.memref_slice %arg2[%add3A_72] : memref<322560xi32, #tpu.memory_space<hbm>> -> memref<80xi32, #tpu.memory_space<hbm>>
        %dma_start3A_74 = tpu.memref_slice %arg2[%add3A_72] : memref<322560xi32, #tpu.memory_space<hbm>> -> memref<80xi32, #tpu.memory_space<hbm>>
        tpu.enqueue_dma source(%dma_start3A_74 : memref<80xi32, #tpu.memory_space<hbm>>) target(%arg4 : memref<80xi32, #tpu.memory_space<vmem>>) target_semaphore(%arg8 : memref<!tpu.dma_semaphore, #tpu.memory_space<semaphore_mem>>)
      } else {
      }
      %add3A_60 = arith.constant 1 : i32
      %add3A_61 = arith.addi %mul3A_46, %add3A_60 : i32
      %mul3A_62 = arith.constant 80 : i32
      %mul3A_63 = arith.muli %add3A_61, %mul3A_62 : i32
      %add3A_64 = arith.addi %mul3A_4, %mul3A_63 : i32
      %dma_wait3A_65 = tpu.memref_slice %arg2[%add3A_64] : memref<322560xi32, #tpu.memory_space<hbm>> -> memref<80xi32, #tpu.memory_space<hbm>>
      %dma_wait3A_66 = tpu.memref_slice %arg2[%add3A_64] : memref<322560xi32, #tpu.memory_space<hbm>> -> memref<80xi32, #tpu.memory_space<hbm>>
      tpu.wait_dma2 semaphore(%arg9 : memref<!tpu.dma_semaphore, #tpu.memory_space<semaphore_mem>>) src(%dma_wait3A_66 : memref<80xi32, #tpu.memory_space<hbm>>) dst(%arg5 : memref<80xi32, #tpu.memory_space<vmem>>)
      "tpu.region"() ({
        %run_scoped3A = tpu.sem_alloc : memref<!tpu.dma_semaphore, #tpu.memory_space<semaphore_mem>>
        %dma_start3A_68 = arith.constant 0 : i32
        %dma_start3A_69 = arith.constant 0 : i32
        %dma_start3A_70 = tpu.memref_slice %arg7[%dma_start3A_68, %dma_start3A_69] : memref<10240x16xf32, #tpu.memory_space<vmem_shared>> -> memref<10240x16xf32, #tpu.memory_space<vmem_shared>>
        tpu.enqueue_indirect_dma source(%arg6 : memref<80x16xf32, #tpu.memory_space<vmem>>) target(%dma_start3A_70 : memref<10240x16xf32, #tpu.memory_space<vmem_shared>>) offsets(%arg5 : memref<80xi32, #tpu.memory_space<vmem>>) semaphore(%run_scoped3A : memref<!tpu.dma_semaphore, #tpu.memory_space<semaphore_mem>>) {add = true}
        %dma_wait3A_71 = arith.constant 0 : i32
        %dma_wait3A_72 = arith.constant 0 : i32
        %dma_wait3A_73 = tpu.memref_slice %arg7[%dma_wait3A_71, %dma_wait3A_72] : memref<10240x16xf32, #tpu.memory_space<vmem_shared>> -> memref<10240x16xf32, #tpu.memory_space<vmem_shared>>
        tpu.wait_indirect_dma semaphore(%run_scoped3A : memref<!tpu.dma_semaphore, #tpu.memory_space<semaphore_mem>>) src(%arg6 : memref<80x16xf32, #tpu.memory_space<vmem>>) dst(%dma_wait3A_73 : memref<10240x16xf32, #tpu.memory_space<vmem_shared>>)
        tpu.yield
      }) : () -> ()
      %scan3A_67 = arith.constant 0 : i32
      scf.yield %scan3A_67 : i32
    }
    %scan3A_37 = arith.constant 63 : i32
    %barrier3A_38 = arith.constant 0 : index
    tpu.barrier barrier_id(%barrier3A_38)
    %mul3A_39 = arith.constant 640 : i32
    %mul3A_40 = arith.muli %arg1, %mul3A_39 : i32
    %mul3A_41 = arith.constant 640 : i32
    %mul3A_42 = arith.muli %arg1, %mul3A_41 : i32
    "tpu.region"() ({
      %run_scoped3A = tpu.sem_alloc : memref<!tpu.dma_semaphore, #tpu.memory_space<semaphore_mem>>
      %dma_start3A_43 = arith.constant 0 : i32
      %dma_start3A_44 = tpu.memref_slice %arg3[%arg0, %mul3A_42, %dma_start3A_43] : memref<2x10240x16xf32, #tpu.memory_space<hbm>> -> memref<1x640x16xf32, #tpu.memory_space<hbm>>
      %dma_start3A_45 = tpu.memref_squeeze %dma_start3A_44 : memref<1x640x16xf32, #tpu.memory_space<hbm>> -> memref<640x16xf32, #tpu.memory_space<hbm>>
      %dma_start3A_46 = arith.constant 0 : i32
      %dma_start3A_47 = tpu.memref_slice %arg7[%mul3A_40, %dma_start3A_46] : memref<10240x16xf32, #tpu.memory_space<vmem_shared>> -> memref<640x16xf32, #tpu.memory_space<vmem_shared>>
      tpu.enqueue_dma source(%dma_start3A_47 : memref<640x16xf32, #tpu.memory_space<vmem_shared>>) target(%dma_start3A_45 : memref<640x16xf32, #tpu.memory_space<hbm>>) target_semaphore(%run_scoped3A : memref<!tpu.dma_semaphore, #tpu.memory_space<semaphore_mem>>)
      %dma_wait3A = arith.constant 0 : i32
      %dma_wait3A_48 = tpu.memref_slice %arg3[%arg0, %mul3A_42, %dma_wait3A] : memref<2x10240x16xf32, #tpu.memory_space<hbm>> -> memref<1x640x16xf32, #tpu.memory_space<hbm>>
      %dma_wait3A_49 = tpu.memref_squeeze %dma_wait3A_48 : memref<1x640x16xf32, #tpu.memory_space<hbm>> -> memref<640x16xf32, #tpu.memory_space<hbm>>
      %dma_wait3A_50 = arith.constant 0 : i32
      %dma_wait3A_51 = tpu.memref_slice %arg7[%mul3A_40, %dma_wait3A_50] : memref<10240x16xf32, #tpu.memory_space<vmem_shared>> -> memref<640x16xf32, #tpu.memory_space<vmem_shared>>
      tpu.wait_dma2 semaphore(%run_scoped3A : memref<!tpu.dma_semaphore, #tpu.memory_space<semaphore_mem>>) src(%dma_wait3A_51 : memref<640x16xf32, #tpu.memory_space<vmem_shared>>) dst(%dma_wait3A_49 : memref<640x16xf32, #tpu.memory_space<hbm>>)
      tpu.yield
    }) : () -> ()
    return
  }
}

module attributes {stable_mosaic.version = 14 : i64} {
  func.func @_pre_body(%arg0: i32, %arg1: memref<1000x128xf32, #tpu.memory_space<vmem>>, %arg2: memref<2x1000x16xf32, #tpu.memory_space<vmem>>, %arg3: memref<128x128xf32, #tpu.memory_space<vmem>>, %arg4: memref<1x128xf32, #tpu.memory_space<vmem>>, %arg5: memref<128x128xf32, #tpu.memory_space<vmem>>, %arg6: memref<128x128xf32, #tpu.memory_space<vmem>>, %arg7: memref<1x128xf32, #tpu.memory_space<vmem>>, %arg8: memref<1x128xf32, #tpu.memory_space<vmem>>, %arg9: memref<1x128xf32, #tpu.memory_space<vmem>>, %arg10: memref<128x128xf32, #tpu.memory_space<vmem>>, %arg11: memref<1x128xf32, #tpu.memory_space<vmem>>, %arg12: memref<1x128xf32, #tpu.memory_space<vmem>>, %arg13: memref<1x128xf32, #tpu.memory_space<vmem>>, %arg14: memref<128x1xf32, #tpu.memory_space<vmem>>, %arg15: memref<1x1xf32, #tpu.memory_space<vmem>>, %arg16: memref<1000x1xf32, #tpu.memory_space<vmem>>, %arg17: memref<1000x128xf32, #tpu.memory_space<vmem>>, %arg18: memref<1000x1xf32, #tpu.memory_space<vmem>>) attributes {dimension_semantics = [#tpu.dimension_semantics<arbitrary>], iteration_bounds = array<i64: 10>, scalar_prefetch = 0 : i64, scratch_operands = 0 : i64, tpu.core_type = #tpu.core_type<tc>, window_params = [{transform_indices = @transform_0, window_bounds = array<i64: 1000, 128>}, {transform_indices = @transform_1, window_bounds = array<i64: 2, 1000, 16>}, {pipeline_mode = #tpu.pipeline_mode<synchronous>, transform_indices = @transform_2, window_bounds = array<i64: 128, 128>}, {pipeline_mode = #tpu.pipeline_mode<synchronous>, transform_indices = @transform_3, window_bounds = array<i64: 1, 128>}, {pipeline_mode = #tpu.pipeline_mode<synchronous>, transform_indices = @transform_4, window_bounds = array<i64: 128, 128>}, {pipeline_mode = #tpu.pipeline_mode<synchronous>, transform_indices = @transform_5, window_bounds = array<i64: 128, 128>}, {pipeline_mode = #tpu.pipeline_mode<synchronous>, transform_indices = @transform_6, window_bounds = array<i64: 1, 128>}, {pipeline_mode = #tpu.pipeline_mode<synchronous>, transform_indices = @transform_7, window_bounds = array<i64: 1, 128>}, {pipeline_mode = #tpu.pipeline_mode<synchronous>, transform_indices = @transform_8, window_bounds = array<i64: 1, 128>}, {pipeline_mode = #tpu.pipeline_mode<synchronous>, transform_indices = @transform_9, window_bounds = array<i64: 128, 128>}, {pipeline_mode = #tpu.pipeline_mode<synchronous>, transform_indices = @transform_10, window_bounds = array<i64: 1, 128>}, {pipeline_mode = #tpu.pipeline_mode<synchronous>, transform_indices = @transform_11, window_bounds = array<i64: 1, 128>}, {pipeline_mode = #tpu.pipeline_mode<synchronous>, transform_indices = @transform_12, window_bounds = array<i64: 1, 128>}, {pipeline_mode = #tpu.pipeline_mode<synchronous>, transform_indices = @transform_13, window_bounds = array<i64: 128, 1>}, {pipeline_mode = #tpu.pipeline_mode<synchronous>, transform_indices = @transform_14, window_bounds = array<i64: 1, 1>}, {transform_indices = @transform_15, window_bounds = array<i64: 1000, 1>}, {transform_indices = @transform_16, window_bounds = array<i64: 1000, 128>}, {transform_indices = @transform_17, window_bounds = array<i64: 1000, 1>}]} {
    %get3A = arith.constant 0 : index
    %get3A_0 = arith.constant 0 : index
    %get3A_1 = vector.load %arg1[%get3A, %get3A_0] : memref<1000x128xf32, #tpu.memory_space<vmem>>, vector<1000x128xf32>
    %get3A_2 = arith.constant 0 : index
    %get3A_3 = arith.constant 0 : index
    %get3A_4 = arith.constant 0 : index
    %get3A_5 = vector.load %arg2[%get3A_2, %get3A_3, %get3A_4] : memref<2x1000x16xf32, #tpu.memory_space<vmem>>, vector<1x1000x1xf32>
    %get3A_6 = vector.shape_cast %get3A_5 : vector<1x1000x1xf32> to vector<1000x1xf32>
    %get3A_7 = arith.constant 1 : index
    %get3A_8 = arith.constant 0 : index
    %get3A_9 = arith.constant 0 : index
    %get3A_10 = vector.load %arg2[%get3A_7, %get3A_8, %get3A_9] : memref<2x1000x16xf32, #tpu.memory_space<vmem>>, vector<1x1000x1xf32>
    %get3A_11 = vector.shape_cast %get3A_10 : vector<1x1000x1xf32> to vector<1000x1xf32>
    %add3A = arith.addf %get3A_6, %get3A_11 : vector<1000x1xf32>
    %add3A_12 = arith.constant 1.000000e+00 : f32
    %add3A_13 = vector.broadcast %add3A_12 : f32 to vector<1000x1xf32>
    %add3A_14 = arith.addf %add3A, %add3A_13 : vector<1000x1xf32>
    %rsqrt3A = math.rsqrt %add3A_14 : vector<1000x1xf32>
    %get3A_15 = arith.constant 0 : index
    %get3A_16 = arith.constant 0 : index
    %get3A_17 = vector.load %arg6[%get3A_15, %get3A_16] : memref<128x128xf32, #tpu.memory_space<vmem>>, vector<128x128xf32>
    %dot_general3A = arith.constant dense<0.000000e+00> : vector<1000x128xf32>
    %dot_general3A_18 = tpu.matmul %get3A_1, %get3A_17, %dot_general3A {dimension_numbers = #tpu.dot_dimension_numbers<[1], [0], [0], [1], [0, 0, 1, 1], [], []>, transpose_lhs_hint = false} : vector<1000x128xf32>, vector<128x128xf32>, vector<1000x128xf32> -> vector<1000x128xf32>
    %get3A_19 = arith.constant 0 : index
    %get3A_20 = arith.constant 0 : index
    %get3A_21 = vector.load %arg7[%get3A_19, %get3A_20] : memref<1x128xf32, #tpu.memory_space<vmem>>, vector<1x128xf32>
    %add3A_22 = vector.broadcast %get3A_21 : vector<1x128xf32> to vector<1000x128xf32>
    %add3A_23 = arith.addf %dot_general3A_18, %add3A_22 : vector<1000x128xf32>
    %get3A_24 = arith.constant 0 : index
    %get3A_25 = arith.constant 0 : index
    %get3A_26 = vector.load %arg8[%get3A_24, %get3A_25] : memref<1x128xf32, #tpu.memory_space<vmem>>, vector<1x128xf32>
    %get3A_27 = arith.constant 0 : index
    %get3A_28 = arith.constant 0 : index
    %get3A_29 = vector.load %arg9[%get3A_27, %get3A_28] : memref<1x128xf32, #tpu.memory_space<vmem>>, vector<1x128xf32>
    %reduce_sum3A = arith.constant dense<0.000000e+00> : vector<1000xf32>
    %reduce_sum3A_30 = vector.multi_reduction <add>, %add3A_23, %reduce_sum3A [1] : vector<1000x128xf32> to vector<1000xf32>
    %broadcast_in_dim3A = vector.shape_cast %reduce_sum3A_30 : vector<1000xf32> to vector<1000x1xf32>
    %div3A = arith.constant 1.280000e+02 : f32
    %div3A_31 = vector.broadcast %div3A : f32 to vector<1000x1xf32>
    %div3A_32 = arith.divf %broadcast_in_dim3A, %div3A_31 : vector<1000x1xf32>
    %sub3A = vector.broadcast %div3A_32 : vector<1000x1xf32> to vector<1000x128xf32>
    %sub3A_33 = arith.subf %add3A_23, %sub3A : vector<1000x128xf32>
    %integer_pow3A = arith.mulf %sub3A_33, %sub3A_33 : vector<1000x128xf32>
    %reduce_sum3A_34 = arith.constant dense<0.000000e+00> : vector<1000xf32>
    %reduce_sum3A_35 = vector.multi_reduction <add>, %integer_pow3A, %reduce_sum3A_34 [1] : vector<1000x128xf32> to vector<1000xf32>
    %broadcast_in_dim3A_36 = vector.shape_cast %reduce_sum3A_35 : vector<1000xf32> to vector<1000x1xf32>
    %div3A_37 = arith.constant 1.280000e+02 : f32
    %div3A_38 = vector.broadcast %div3A_37 : f32 to vector<1000x1xf32>
    %div3A_39 = arith.divf %broadcast_in_dim3A_36, %div3A_38 : vector<1000x1xf32>
    %sub3A_40 = vector.broadcast %div3A_32 : vector<1000x1xf32> to vector<1000x128xf32>
    %sub3A_41 = arith.subf %add3A_23, %sub3A_40 : vector<1000x128xf32>
    %add3A_42 = arith.constant 9.99999974E-6 : f32
    %add3A_43 = vector.broadcast %add3A_42 : f32 to vector<1000x1xf32>
    %add3A_44 = arith.addf %div3A_39, %add3A_43 : vector<1000x1xf32>
    %sqrt3A = math.sqrt %add3A_44 : vector<1000x1xf32>
    %div3A_45 = vector.broadcast %sqrt3A : vector<1000x1xf32> to vector<1000x128xf32>
    %div3A_46 = arith.divf %sub3A_41, %div3A_45 : vector<1000x128xf32>
    %mul3A = vector.broadcast %get3A_26 : vector<1x128xf32> to vector<1000x128xf32>
    %mul3A_47 = arith.mulf %div3A_46, %mul3A : vector<1000x128xf32>
    %add3A_48 = vector.broadcast %get3A_29 : vector<1x128xf32> to vector<1000x128xf32>
    %add3A_49 = arith.addf %mul3A_47, %add3A_48 : vector<1000x128xf32>
    %max3A = arith.constant 0.000000e+00 : f32
    %max3A_50 = vector.broadcast %max3A : f32 to vector<1000x128xf32>
    %max3A_51 = arith.maximumf %add3A_49, %max3A_50 : vector<1000x128xf32>
    %get3A_52 = arith.constant 0 : index
    %get3A_53 = arith.constant 0 : index
    %get3A_54 = vector.load %arg10[%get3A_52, %get3A_53] : memref<128x128xf32, #tpu.memory_space<vmem>>, vector<128x128xf32>
    %dot_general3A_55 = arith.constant dense<0.000000e+00> : vector<1000x128xf32>
    %dot_general3A_56 = tpu.matmul %max3A_51, %get3A_54, %dot_general3A_55 {dimension_numbers = #tpu.dot_dimension_numbers<[1], [0], [0], [1], [0, 0, 1, 1], [], []>, transpose_lhs_hint = false} : vector<1000x128xf32>, vector<128x128xf32>, vector<1000x128xf32> -> vector<1000x128xf32>
    %get3A_57 = arith.constant 0 : index
    %get3A_58 = arith.constant 0 : index
    %get3A_59 = vector.load %arg11[%get3A_57, %get3A_58] : memref<1x128xf32, #tpu.memory_space<vmem>>, vector<1x128xf32>
    %add3A_60 = vector.broadcast %get3A_59 : vector<1x128xf32> to vector<1000x128xf32>
    %add3A_61 = arith.addf %dot_general3A_56, %add3A_60 : vector<1000x128xf32>
    %get3A_62 = arith.constant 0 : index
    %get3A_63 = arith.constant 0 : index
    %get3A_64 = vector.load %arg12[%get3A_62, %get3A_63] : memref<1x128xf32, #tpu.memory_space<vmem>>, vector<1x128xf32>
    %get3A_65 = arith.constant 0 : index
    %get3A_66 = arith.constant 0 : index
    %get3A_67 = vector.load %arg13[%get3A_65, %get3A_66] : memref<1x128xf32, #tpu.memory_space<vmem>>, vector<1x128xf32>
    %reduce_sum3A_68 = arith.constant dense<0.000000e+00> : vector<1000xf32>
    %reduce_sum3A_69 = vector.multi_reduction <add>, %add3A_61, %reduce_sum3A_68 [1] : vector<1000x128xf32> to vector<1000xf32>
    %broadcast_in_dim3A_70 = vector.shape_cast %reduce_sum3A_69 : vector<1000xf32> to vector<1000x1xf32>
    %div3A_71 = arith.constant 1.280000e+02 : f32
    %div3A_72 = vector.broadcast %div3A_71 : f32 to vector<1000x1xf32>
    %div3A_73 = arith.divf %broadcast_in_dim3A_70, %div3A_72 : vector<1000x1xf32>
    %sub3A_74 = vector.broadcast %div3A_73 : vector<1000x1xf32> to vector<1000x128xf32>
    %sub3A_75 = arith.subf %add3A_61, %sub3A_74 : vector<1000x128xf32>
    %integer_pow3A_76 = arith.mulf %sub3A_75, %sub3A_75 : vector<1000x128xf32>
    %reduce_sum3A_77 = arith.constant dense<0.000000e+00> : vector<1000xf32>
    %reduce_sum3A_78 = vector.multi_reduction <add>, %integer_pow3A_76, %reduce_sum3A_77 [1] : vector<1000x128xf32> to vector<1000xf32>
    %broadcast_in_dim3A_79 = vector.shape_cast %reduce_sum3A_78 : vector<1000xf32> to vector<1000x1xf32>
    %div3A_80 = arith.constant 1.280000e+02 : f32
    %div3A_81 = vector.broadcast %div3A_80 : f32 to vector<1000x1xf32>
    %div3A_82 = arith.divf %broadcast_in_dim3A_79, %div3A_81 : vector<1000x1xf32>
    %sub3A_83 = vector.broadcast %div3A_73 : vector<1000x1xf32> to vector<1000x128xf32>
    %sub3A_84 = arith.subf %add3A_61, %sub3A_83 : vector<1000x128xf32>
    %add3A_85 = arith.constant 9.99999974E-6 : f32
    %add3A_86 = vector.broadcast %add3A_85 : f32 to vector<1000x1xf32>
    %add3A_87 = arith.addf %div3A_82, %add3A_86 : vector<1000x1xf32>
    %sqrt3A_88 = math.sqrt %add3A_87 : vector<1000x1xf32>
    %div3A_89 = vector.broadcast %sqrt3A_88 : vector<1000x1xf32> to vector<1000x128xf32>
    %div3A_90 = arith.divf %sub3A_84, %div3A_89 : vector<1000x128xf32>
    %mul3A_91 = vector.broadcast %get3A_64 : vector<1x128xf32> to vector<1000x128xf32>
    %mul3A_92 = arith.mulf %div3A_90, %mul3A_91 : vector<1000x128xf32>
    %add3A_93 = vector.broadcast %get3A_67 : vector<1x128xf32> to vector<1000x128xf32>
    %add3A_94 = arith.addf %mul3A_92, %add3A_93 : vector<1000x128xf32>
    %max3A_95 = arith.constant 0.000000e+00 : f32
    %max3A_96 = vector.broadcast %max3A_95 : f32 to vector<1000x128xf32>
    %max3A_97 = arith.maximumf %add3A_94, %max3A_96 : vector<1000x128xf32>
    %get3A_98 = arith.constant 0 : index
    %get3A_99 = arith.constant 0 : index
    %get3A_100 = vector.load %arg14[%get3A_98, %get3A_99] : memref<128x1xf32, #tpu.memory_space<vmem>>, vector<128x1xf32>
    %dot_general3A_101 = arith.constant dense<0.000000e+00> : vector<1000x1xf32>
    %dot_general3A_102 = tpu.matmul %max3A_97, %get3A_100, %dot_general3A_101 {dimension_numbers = #tpu.dot_dimension_numbers<[1], [0], [0], [1], [0, 0, 1, 1], [], []>, transpose_lhs_hint = false} : vector<1000x128xf32>, vector<128x1xf32>, vector<1000x1xf32> -> vector<1000x1xf32>
    %get3A_103 = arith.constant 0 : index
    %get3A_104 = arith.constant 0 : index
    %get3A_105 = vector.load %arg15[%get3A_103, %get3A_104] : memref<1x1xf32, #tpu.memory_space<vmem>>, vector<1x1xf32>
    %add3A_106 = vector.broadcast %get3A_105 : vector<1x1xf32> to vector<1000x1xf32>
    %add3A_107 = arith.addf %dot_general3A_102, %add3A_106 : vector<1000x1xf32>
    %swap3A = arith.constant 0 : index
    %swap3A_108 = arith.constant 0 : index
    %swap3A_109 = vector.load %arg16[%swap3A, %swap3A_108] : memref<1000x1xf32, #tpu.memory_space<vmem>>, vector<1000x1xf32>
    tpu.vector_store %arg16[%swap3A, %swap3A_108], %add3A_107 {strides = array<i32>} : memref<1000x1xf32, #tpu.memory_space<vmem>>, vector<1000x1xf32>,
    %get3A_110 = arith.constant 0 : index
    %get3A_111 = arith.constant 0 : index
    %get3A_112 = vector.load %arg3[%get3A_110, %get3A_111] : memref<128x128xf32, #tpu.memory_space<vmem>>, vector<128x128xf32>
    %dot_general3A_113 = arith.constant dense<0.000000e+00> : vector<1000x128xf32>
    %dot_general3A_114 = tpu.matmul %get3A_1, %get3A_112, %dot_general3A_113 {dimension_numbers = #tpu.dot_dimension_numbers<[1], [0], [0], [1], [0, 0, 1, 1], [], []>, transpose_lhs_hint = false} : vector<1000x128xf32>, vector<128x128xf32>, vector<1000x128xf32> -> vector<1000x128xf32>
    %get3A_115 = arith.constant 0 : index
    %get3A_116 = arith.constant 0 : index
    %get3A_117 = vector.load %arg4[%get3A_115, %get3A_116] : memref<1x128xf32, #tpu.memory_space<vmem>>, vector<1x128xf32>
    %add3A_118 = vector.broadcast %get3A_117 : vector<1x128xf32> to vector<1000x128xf32>
    %add3A_119 = arith.addf %dot_general3A_114, %add3A_118 : vector<1000x128xf32>
    %get3A_120 = arith.constant 0 : index
    %get3A_121 = arith.constant 0 : index
    %get3A_122 = vector.load %arg5[%get3A_120, %get3A_121] : memref<128x128xf32, #tpu.memory_space<vmem>>, vector<128x128xf32>
    %dot_general3A_123 = arith.constant dense<0.000000e+00> : vector<1000x128xf32>
    %dot_general3A_124 = tpu.matmul %add3A_119, %get3A_122, %dot_general3A_123 {dimension_numbers = #tpu.dot_dimension_numbers<[1], [0], [0], [1], [0, 0, 1, 1], [], []>, transpose_lhs_hint = false} : vector<1000x128xf32>, vector<128x128xf32>, vector<1000x128xf32> -> vector<1000x128xf32>
    %mul3A_125 = vector.broadcast %rsqrt3A : vector<1000x1xf32> to vector<1000x128xf32>
    %mul3A_126 = arith.mulf %dot_general3A_124, %mul3A_125 : vector<1000x128xf32>
    %swap3A_127 = arith.constant 0 : index
    %swap3A_128 = arith.constant 0 : index
    %swap3A_129 = vector.load %arg17[%swap3A_127, %swap3A_128] : memref<1000x128xf32, #tpu.memory_space<vmem>>, vector<1000x128xf32>
    tpu.vector_store %arg17[%swap3A_127, %swap3A_128], %mul3A_126 {strides = array<i32>} : memref<1000x128xf32, #tpu.memory_space<vmem>>, vector<1000x128xf32>,
    %swap3A_130 = arith.constant 0 : index
    %swap3A_131 = arith.constant 0 : index
    %swap3A_132 = vector.load %arg18[%swap3A_130, %swap3A_131] : memref<1000x1xf32, #tpu.memory_space<vmem>>, vector<1000x1xf32>
    tpu.vector_store %arg18[%swap3A_130, %swap3A_131], %rsqrt3A {strides = array<i32>} : memref<1000x1xf32, #tpu.memory_space<vmem>>, vector<1000x1xf32>,
    return
  }
  func.func @transform_0(%arg0: i32) -> (i32, i32) {
    %c0_i32 = arith.constant 0 : i32
    %c0_i32_0 = arith.constant 0 : i32
    return %arg0, %c0_i32 : i32, i32
  }
  func.func @transform_1(%arg0: i32) -> (i32, i32, i32) {
    %c0_i32 = arith.constant 0 : i32
    %c0_i32_0 = arith.constant 0 : i32
    %c0_i32_1 = arith.constant 0 : i32
    return %c0_i32, %arg0, %c0_i32_0 : i32, i32, i32
  }
  func.func @transform_2(%arg0: i32) -> (i32, i32) {
    %c0_i32 = arith.constant 0 : i32
    %c0_i32_0 = arith.constant 0 : i32
    %c0_i32_1 = arith.constant 0 : i32
    return %c0_i32, %c0_i32_0 : i32, i32
  }
  func.func @transform_3(%arg0: i32) -> (i32, i32) {
    %c0_i32 = arith.constant 0 : i32
    %c0_i32_0 = arith.constant 0 : i32
    %c0_i32_1 = arith.constant 0 : i32
    return %c0_i32, %c0_i32_0 : i32, i32
  }
  func.func @transform_4(%arg0: i32) -> (i32, i32) {
    %c0_i32 = arith.constant 0 : i32
    %c0_i32_0 = arith.constant 0 : i32
    %c0_i32_1 = arith.constant 0 : i32
    return %c0_i32, %c0_i32_0 : i32, i32
  }
  func.func @transform_5(%arg0: i32) -> (i32, i32) {
    %c0_i32 = arith.constant 0 : i32
    %c0_i32_0 = arith.constant 0 : i32
    %c0_i32_1 = arith.constant 0 : i32
    return %c0_i32, %c0_i32_0 : i32, i32
  }
  func.func @transform_6(%arg0: i32) -> (i32, i32) {
    %c0_i32 = arith.constant 0 : i32
    %c0_i32_0 = arith.constant 0 : i32
    %c0_i32_1 = arith.constant 0 : i32
    return %c0_i32, %c0_i32_0 : i32, i32
  }
  func.func @transform_7(%arg0: i32) -> (i32, i32) {
    %c0_i32 = arith.constant 0 : i32
    %c0_i32_0 = arith.constant 0 : i32
    %c0_i32_1 = arith.constant 0 : i32
    return %c0_i32, %c0_i32_0 : i32, i32
  }
  func.func @transform_8(%arg0: i32) -> (i32, i32) {
    %c0_i32 = arith.constant 0 : i32
    %c0_i32_0 = arith.constant 0 : i32
    %c0_i32_1 = arith.constant 0 : i32
    return %c0_i32, %c0_i32_0 : i32, i32
  }
  func.func @transform_9(%arg0: i32) -> (i32, i32) {
    %c0_i32 = arith.constant 0 : i32
    %c0_i32_0 = arith.constant 0 : i32
    %c0_i32_1 = arith.constant 0 : i32
    return %c0_i32, %c0_i32_0 : i32, i32
  }
  func.func @transform_10(%arg0: i32) -> (i32, i32) {
    %c0_i32 = arith.constant 0 : i32
    %c0_i32_0 = arith.constant 0 : i32
    %c0_i32_1 = arith.constant 0 : i32
    return %c0_i32, %c0_i32_0 : i32, i32
  }
  func.func @transform_11(%arg0: i32) -> (i32, i32) {
    %c0_i32 = arith.constant 0 : i32
    %c0_i32_0 = arith.constant 0 : i32
    %c0_i32_1 = arith.constant 0 : i32
    return %c0_i32, %c0_i32_0 : i32, i32
  }
  func.func @transform_12(%arg0: i32) -> (i32, i32) {
    %c0_i32 = arith.constant 0 : i32
    %c0_i32_0 = arith.constant 0 : i32
    %c0_i32_1 = arith.constant 0 : i32
    return %c0_i32, %c0_i32_0 : i32, i32
  }
  func.func @transform_13(%arg0: i32) -> (i32, i32) {
    %c0_i32 = arith.constant 0 : i32
    %c0_i32_0 = arith.constant 0 : i32
    %c0_i32_1 = arith.constant 0 : i32
    return %c0_i32, %c0_i32_0 : i32, i32
  }
  func.func @transform_14(%arg0: i32) -> (i32, i32) {
    %c0_i32 = arith.constant 0 : i32
    %c0_i32_0 = arith.constant 0 : i32
    %c0_i32_1 = arith.constant 0 : i32
    return %c0_i32, %c0_i32_0 : i32, i32
  }
  func.func @transform_15(%arg0: i32) -> (i32, i32) {
    %c0_i32 = arith.constant 0 : i32
    %c0_i32_0 = arith.constant 0 : i32
    return %arg0, %c0_i32 : i32, i32
  }
  func.func @transform_16(%arg0: i32) -> (i32, i32) {
    %c0_i32 = arith.constant 0 : i32
    %c0_i32_0 = arith.constant 0 : i32
    return %arg0, %c0_i32 : i32, i32
  }
  func.func @transform_17(%arg0: i32) -> (i32, i32) {
    %c0_i32 = arith.constant 0 : i32
    %c0_i32_0 = arith.constant 0 : i32
    return %arg0, %c0_i32 : i32, i32
  }
}

module attributes {stable_mosaic.version = 14 : i64} {
  func.func @_mid_body(%arg0: i32, %arg1: memref<2x1000x128xf32, #tpu.memory_space<vmem>>, %arg2: memref<1000x128xf32, #tpu.memory_space<vmem>>, %arg3: memref<1000x1xf32, #tpu.memory_space<vmem>>, %arg4: memref<1x128xf32, #tpu.memory_space<vmem>>, %arg5: memref<128x128xf32, #tpu.memory_space<vmem>>, %arg6: memref<1000x128xf32, #tpu.memory_space<vmem>>, %arg7: memref<1000x128xf32, #tpu.memory_space<vmem>>) attributes {dimension_semantics = [#tpu.dimension_semantics<arbitrary>], iteration_bounds = array<i64: 10>, scalar_prefetch = 0 : i64, scratch_operands = 0 : i64, tpu.core_type = #tpu.core_type<tc>, window_params = [{transform_indices = @transform_0, window_bounds = array<i64: 2, 1000, 128>}, {transform_indices = @transform_1, window_bounds = array<i64: 1000, 128>}, {transform_indices = @transform_2, window_bounds = array<i64: 1000, 1>}, {pipeline_mode = #tpu.pipeline_mode<synchronous>, transform_indices = @transform_3, window_bounds = array<i64: 1, 128>}, {pipeline_mode = #tpu.pipeline_mode<synchronous>, transform_indices = @transform_4, window_bounds = array<i64: 128, 128>}, {transform_indices = @transform_5, window_bounds = array<i64: 1000, 128>}, {transform_indices = @transform_6, window_bounds = array<i64: 1000, 128>}]} {
    %get3A = arith.constant 0 : index
    %get3A_0 = arith.constant 0 : index
    %get3A_1 = vector.load %arg3[%get3A, %get3A_0] : memref<1000x1xf32, #tpu.memory_space<vmem>>, vector<1000x1xf32>
    %get3A_2 = arith.constant 0 : index
    %get3A_3 = arith.constant 0 : index
    %get3A_4 = arith.constant 0 : index
    %get3A_5 = vector.load %arg1[%get3A_2, %get3A_3, %get3A_4] : memref<2x1000x128xf32, #tpu.memory_space<vmem>>, vector<1x1000x128xf32>
    %get3A_6 = vector.shape_cast %get3A_5 : vector<1x1000x128xf32> to vector<1000x128xf32>
    %get3A_7 = arith.constant 1 : index
    %get3A_8 = arith.constant 0 : index
    %get3A_9 = arith.constant 0 : index
    %get3A_10 = vector.load %arg1[%get3A_7, %get3A_8, %get3A_9] : memref<2x1000x128xf32, #tpu.memory_space<vmem>>, vector<1x1000x128xf32>
    %get3A_11 = vector.shape_cast %get3A_10 : vector<1x1000x128xf32> to vector<1000x128xf32>
    %add3A = arith.addf %get3A_6, %get3A_11 : vector<1000x128xf32>
    %get3A_12 = arith.constant 0 : index
    %get3A_13 = arith.constant 0 : index
    %get3A_14 = vector.load %arg2[%get3A_12, %get3A_13] : memref<1000x128xf32, #tpu.memory_space<vmem>>, vector<1000x128xf32>
    %add3A_15 = arith.addf %add3A, %get3A_14 : vector<1000x128xf32>
    %mul3A = vector.broadcast %get3A_1 : vector<1000x1xf32> to vector<1000x128xf32>
    %mul3A_16 = arith.mulf %mul3A, %add3A_15 : vector<1000x128xf32>
    %get3A_17 = arith.constant 0 : index
    %get3A_18 = arith.constant 0 : index
    %get3A_19 = vector.load %arg4[%get3A_17, %get3A_18] : memref<1x128xf32, #tpu.memory_space<vmem>>, vector<1x128xf32>
    %add3A_20 = vector.broadcast %get3A_19 : vector<1x128xf32> to vector<1000x128xf32>
    %add3A_21 = arith.addf %mul3A_16, %add3A_20 : vector<1000x128xf32>
    %max3A = arith.constant 0.000000e+00 : f32
    %max3A_22 = vector.broadcast %max3A : f32 to vector<1000x128xf32>
    %max3A_23 = arith.maximumf %add3A_21, %max3A_22 : vector<1000x128xf32>
    %swap3A = arith.constant 0 : index
    %swap3A_24 = arith.constant 0 : index
    %swap3A_25 = vector.load %arg6[%swap3A, %swap3A_24] : memref<1000x128xf32, #tpu.memory_space<vmem>>, vector<1000x128xf32>
    tpu.vector_store %arg6[%swap3A, %swap3A_24], %max3A_23 {strides = array<i32>} : memref<1000x128xf32, #tpu.memory_space<vmem>>, vector<1000x128xf32>,
    %get3A_26 = arith.constant 0 : index
    %get3A_27 = arith.constant 0 : index
    %get3A_28 = vector.load %arg5[%get3A_26, %get3A_27] : memref<128x128xf32, #tpu.memory_space<vmem>>, vector<128x128xf32>
    %dot_general3A = arith.constant dense<0.000000e+00> : vector<1000x128xf32>
    %dot_general3A_29 = tpu.matmul %max3A_23, %get3A_28, %dot_general3A {dimension_numbers = #tpu.dot_dimension_numbers<[1], [0], [0], [1], [0, 0, 1, 1], [], []>, transpose_lhs_hint = false} : vector<1000x128xf32>, vector<128x128xf32>, vector<1000x128xf32> -> vector<1000x128xf32>
    %mul3A_30 = vector.broadcast %get3A_1 : vector<1000x1xf32> to vector<1000x128xf32>
    %mul3A_31 = arith.mulf %dot_general3A_29, %mul3A_30 : vector<1000x128xf32>
    %swap3A_32 = arith.constant 0 : index
    %swap3A_33 = arith.constant 0 : index
    %swap3A_34 = vector.load %arg7[%swap3A_32, %swap3A_33] : memref<1000x128xf32, #tpu.memory_space<vmem>>, vector<1000x128xf32>
    tpu.vector_store %arg7[%swap3A_32, %swap3A_33], %mul3A_31 {strides = array<i32>} : memref<1000x128xf32, #tpu.memory_space<vmem>>, vector<1000x128xf32>,
    return
  }
  func.func @transform_0(%arg0: i32) -> (i32, i32, i32) {
    %c0_i32 = arith.constant 0 : i32
    %c0_i32_0 = arith.constant 0 : i32
    %c0_i32_1 = arith.constant 0 : i32
    return %c0_i32, %arg0, %c0_i32_0 : i32, i32, i32
  }
  func.func @transform_1(%arg0: i32) -> (i32, i32) {
    %c0_i32 = arith.constant 0 : i32
    %c0_i32_0 = arith.constant 0 : i32
    return %arg0, %c0_i32 : i32, i32
  }
  func.func @transform_2(%arg0: i32) -> (i32, i32) {
    %c0_i32 = arith.constant 0 : i32
    %c0_i32_0 = arith.constant 0 : i32
    return %arg0, %c0_i32 : i32, i32
  }
  func.func @transform_3(%arg0: i32) -> (i32, i32) {
    %c0_i32 = arith.constant 0 : i32
    %c0_i32_0 = arith.constant 0 : i32
    %c0_i32_1 = arith.constant 0 : i32
    return %c0_i32, %c0_i32_0 : i32, i32
  }
  func.func @transform_4(%arg0: i32) -> (i32, i32) {
    %c0_i32 = arith.constant 0 : i32
    %c0_i32_0 = arith.constant 0 : i32
    %c0_i32_1 = arith.constant 0 : i32
    return %c0_i32, %c0_i32_0 : i32, i32
  }
  func.func @transform_5(%arg0: i32) -> (i32, i32) {
    %c0_i32 = arith.constant 0 : i32
    %c0_i32_0 = arith.constant 0 : i32
    return %arg0, %c0_i32 : i32, i32
  }
  func.func @transform_6(%arg0: i32) -> (i32, i32) {
    %c0_i32 = arith.constant 0 : i32
    %c0_i32_0 = arith.constant 0 : i32
    return %arg0, %c0_i32 : i32, i32
  }
}

module attributes {stable_mosaic.version = 14 : i64} {
  func.func @_post_body(%arg0: i32, %arg1: memref<2x1000x128xf32, #tpu.memory_space<vmem>>, %arg2: memref<1000x128xf32, #tpu.memory_space<vmem>>, %arg3: memref<1000x1xf32, #tpu.memory_space<vmem>>, %arg4: memref<1x128xf32, #tpu.memory_space<vmem>>, %arg5: memref<1000x128xf32, #tpu.memory_space<vmem>>, %arg6: memref<128x1xf32, #tpu.memory_space<vmem>>, %arg7: memref<1x1xf32, #tpu.memory_space<vmem>>, %arg8: memref<1000x1xf32, #tpu.memory_space<vmem>>, %arg9: memref<1000x1xf32, #tpu.memory_space<vmem>>) attributes {dimension_semantics = [#tpu.dimension_semantics<arbitrary>], iteration_bounds = array<i64: 10>, scalar_prefetch = 0 : i64, scratch_operands = 0 : i64, tpu.core_type = #tpu.core_type<tc>, window_params = [{transform_indices = @transform_0, window_bounds = array<i64: 2, 1000, 128>}, {transform_indices = @transform_1, window_bounds = array<i64: 1000, 128>}, {transform_indices = @transform_2, window_bounds = array<i64: 1000, 1>}, {pipeline_mode = #tpu.pipeline_mode<synchronous>, transform_indices = @transform_3, window_bounds = array<i64: 1, 128>}, {transform_indices = @transform_4, window_bounds = array<i64: 1000, 128>}, {pipeline_mode = #tpu.pipeline_mode<synchronous>, transform_indices = @transform_5, window_bounds = array<i64: 128, 1>}, {pipeline_mode = #tpu.pipeline_mode<synchronous>, transform_indices = @transform_6, window_bounds = array<i64: 1, 1>}, {transform_indices = @transform_7, window_bounds = array<i64: 1000, 1>}, {transform_indices = @transform_8, window_bounds = array<i64: 1000, 1>}]} {
    %get3A = arith.constant 0 : index
    %get3A_0 = arith.constant 0 : index
    %get3A_1 = vector.load %arg3[%get3A, %get3A_0] : memref<1000x1xf32, #tpu.memory_space<vmem>>, vector<1000x1xf32>
    %get3A_2 = arith.constant 0 : index
    %get3A_3 = arith.constant 0 : index
    %get3A_4 = arith.constant 0 : index
    %get3A_5 = vector.load %arg1[%get3A_2, %get3A_3, %get3A_4] : memref<2x1000x128xf32, #tpu.memory_space<vmem>>, vector<1x1000x128xf32>
    %get3A_6 = vector.shape_cast %get3A_5 : vector<1x1000x128xf32> to vector<1000x128xf32>
    %get3A_7 = arith.constant 1 : index
    %get3A_8 = arith.constant 0 : index
    %get3A_9 = arith.constant 0 : index
    %get3A_10 = vector.load %arg1[%get3A_7, %get3A_8, %get3A_9] : memref<2x1000x128xf32, #tpu.memory_space<vmem>>, vector<1x1000x128xf32>
    %get3A_11 = vector.shape_cast %get3A_10 : vector<1x1000x128xf32> to vector<1000x128xf32>
    %add3A = arith.addf %get3A_6, %get3A_11 : vector<1000x128xf32>
    %get3A_12 = arith.constant 0 : index
    %get3A_13 = arith.constant 0 : index
    %get3A_14 = vector.load %arg2[%get3A_12, %get3A_13] : memref<1000x128xf32, #tpu.memory_space<vmem>>, vector<1000x128xf32>
    %add3A_15 = arith.addf %add3A, %get3A_14 : vector<1000x128xf32>
    %mul3A = vector.broadcast %get3A_1 : vector<1000x1xf32> to vector<1000x128xf32>
    %mul3A_16 = arith.mulf %mul3A, %add3A_15 : vector<1000x128xf32>
    %get3A_17 = arith.constant 0 : index
    %get3A_18 = arith.constant 0 : index
    %get3A_19 = vector.load %arg4[%get3A_17, %get3A_18] : memref<1x128xf32, #tpu.memory_space<vmem>>, vector<1x128xf32>
    %add3A_20 = vector.broadcast %get3A_19 : vector<1x128xf32> to vector<1000x128xf32>
    %add3A_21 = arith.addf %mul3A_16, %add3A_20 : vector<1000x128xf32>
    %max3A = arith.constant 0.000000e+00 : f32
    %max3A_22 = vector.broadcast %max3A : f32 to vector<1000x128xf32>
    %max3A_23 = arith.maximumf %add3A_21, %max3A_22 : vector<1000x128xf32>
    %get3A_24 = arith.constant 0 : index
    %get3A_25 = arith.constant 0 : index
    %get3A_26 = vector.load %arg5[%get3A_24, %get3A_25] : memref<1000x128xf32, #tpu.memory_space<vmem>>, vector<1000x128xf32>
    %max3A_27 = arith.maximumf %get3A_26, %max3A_23 : vector<1000x128xf32>
    %get3A_28 = arith.constant 0 : index
    %get3A_29 = arith.constant 0 : index
    %get3A_30 = vector.load %arg6[%get3A_28, %get3A_29] : memref<128x1xf32, #tpu.memory_space<vmem>>, vector<128x1xf32>
    %dot_general3A = arith.constant dense<0.000000e+00> : vector<1000x1xf32>
    %dot_general3A_31 = tpu.matmul %max3A_27, %get3A_30, %dot_general3A {dimension_numbers = #tpu.dot_dimension_numbers<[1], [0], [0], [1], [0, 0, 1, 1], [], []>, transpose_lhs_hint = false} : vector<1000x128xf32>, vector<128x1xf32>, vector<1000x1xf32> -> vector<1000x1xf32>
    %get3A_32 = arith.constant 0 : index
    %get3A_33 = arith.constant 0 : index
    %get3A_34 = vector.load %arg7[%get3A_32, %get3A_33] : memref<1x1xf32, #tpu.memory_space<vmem>>, vector<1x1xf32>
    %add3A_35 = vector.broadcast %get3A_34 : vector<1x1xf32> to vector<1000x1xf32>
    %add3A_36 = arith.addf %dot_general3A_31, %add3A_35 : vector<1000x1xf32>
    %mul3A_37 = arith.constant 5.000000e-01 : f32
    %mul3A_38 = vector.broadcast %mul3A_37 : f32 to vector<1000x1xf32>
    %mul3A_39 = arith.mulf %add3A_36, %mul3A_38 : vector<1000x1xf32>
    %get3A_40 = arith.constant 0 : index
    %get3A_41 = arith.constant 0 : index
    %get3A_42 = vector.load %arg8[%get3A_40, %get3A_41] : memref<1000x1xf32, #tpu.memory_space<vmem>>, vector<1000x1xf32>
    %mul3A_43 = arith.constant 5.000000e-01 : f32
    %mul3A_44 = vector.broadcast %mul3A_43 : f32 to vector<1000x1xf32>
    %mul3A_45 = arith.mulf %get3A_42, %mul3A_44 : vector<1000x1xf32>
    %add3A_46 = arith.addf %mul3A_39, %mul3A_45 : vector<1000x1xf32>
    %swap3A = arith.constant 0 : index
    %swap3A_47 = arith.constant 0 : index
    %swap3A_48 = vector.load %arg9[%swap3A, %swap3A_47] : memref<1000x1xf32, #tpu.memory_space<vmem>>, vector<1000x1xf32>
    tpu.vector_store %arg9[%swap3A, %swap3A_47], %add3A_46 {strides = array<i32>} : memref<1000x1xf32, #tpu.memory_space<vmem>>, vector<1000x1xf32>,
    return
  }
  func.func @transform_0(%arg0: i32) -> (i32, i32, i32) {
    %c0_i32 = arith.constant 0 : i32
    %c0_i32_0 = arith.constant 0 : i32
    %c0_i32_1 = arith.constant 0 : i32
    return %c0_i32, %arg0, %c0_i32_0 : i32, i32, i32
  }
  func.func @transform_1(%arg0: i32) -> (i32, i32) {
    %c0_i32 = arith.constant 0 : i32
    %c0_i32_0 = arith.constant 0 : i32
    return %arg0, %c0_i32 : i32, i32
  }
  func.func @transform_2(%arg0: i32) -> (i32, i32) {
    %c0_i32 = arith.constant 0 : i32
    %c0_i32_0 = arith.constant 0 : i32
    return %arg0, %c0_i32 : i32, i32
  }
  func.func @transform_3(%arg0: i32) -> (i32, i32) {
    %c0_i32 = arith.constant 0 : i32
    %c0_i32_0 = arith.constant 0 : i32
    %c0_i32_1 = arith.constant 0 : i32
    return %c0_i32, %c0_i32_0 : i32, i32
  }
  func.func @transform_4(%arg0: i32) -> (i32, i32) {
    %c0_i32 = arith.constant 0 : i32
    %c0_i32_0 = arith.constant 0 : i32
    return %arg0, %c0_i32 : i32, i32
  }
  func.func @transform_5(%arg0: i32) -> (i32, i32) {
    %c0_i32 = arith.constant 0 : i32
    %c0_i32_0 = arith.constant 0 : i32
    %c0_i32_1 = arith.constant 0 : i32
    return %c0_i32, %c0_i32_0 : i32, i32
  }
  func.func @transform_6(%arg0: i32) -> (i32, i32) {
    %c0_i32 = arith.constant 0 : i32
    %c0_i32_0 = arith.constant 0 : i32
    %c0_i32_1 = arith.constant 0 : i32
    return %c0_i32, %c0_i32_0 : i32, i32
  }
  func.func @transform_7(%arg0: i32) -> (i32, i32) {
    %c0_i32 = arith.constant 0 : i32
    %c0_i32_0 = arith.constant 0 : i32
    return %arg0, %c0_i32 : i32, i32
  }
  func.func @transform_8(%arg0: i32) -> (i32, i32) {
    %c0_i32 = arith.constant 0 : i32
    %c0_i32_0 = arith.constant 0 : i32
    return %arg0, %c0_i32 : i32, i32
  }
}

</mosaic_0001>

<sc_bundles>
// kernel: kernel.11.cloned.1.call-start
scs
__scs_entry_jumppad:
0x0: {  	(pc) =	sbr.rel $0x88, $3  }
0x1: {  	(tag) =	ssettag $0x0;
	lr =	simm.s32 $0x1  }
0x2: {  	[smem:$0x3F8D] =	sst lr;
	_ =	strace $0xD0000000  }
0x3: {  	_ = 	snop  }
0x4: {  	_ = 	snop  }
0x5: {  	_ = 	snop  }
0x6: {  	_ = 	snop  }
0x7: {  	_ = 	snop  }
__scs_overlays_trampoline_lowered:
0x8: {  	[smem:$0x3F9C] =	sst s0  }
0x9: {  	[smem:$0x3F9D] =	sst s1  }
0xa: {  	[smem:$0x3F9E] =	sst s2  }
0xb: {  	[smem:$0x3F9F] =	sst s3  }
0xc: {  	[smem:$0x3FA0] =	sst s4  }
0xd: {  	[smem:$0x3FA1] =	sst s5  }
0xe: {  	[smem:$0x3FA2] =	sst s6  }
0xf: {  	[smem:$0x3FA3] =	sst s7  }
0x10: {  	[smem:$0x3FA4] =	sst s8  }
0x11: {  	[smem:$0x3FA5] =	sst s9;
	s0 =	simm.s32 @!p0 $0x0  }
0x12: {  	s1 =	sld [smem:$0x3F8B];
	s0 =	simm.s32 @p0 $0x1  }
0x13: {  	[smem:$0x3FA6] =	sst s0;
	s0 =	simm.s32 @!p1 $0x0  }
0x14: {  	s2 =	sld [smem:$0x3F8A];
	s0 =	simm.s32 @p1 $0x1  }
0x15: {  	[smem:$0x3FA7] =	sst s0;
	s0 =	simm.s32 @!p2 $0x0  }
0x16: {  	s3 =	sld [smem:$0x3FDB];
	s0 =	simm.s32 @p2 $0x1  }
0x17: {  	s4 =	simm.s32 $0x1BF5;
	[smem:$0x3FA9] =	sst s0  }
0x18: {  	s0 =	sld [smem:$0x3F8C];
	_ =	swait.ge [sflag:s4], $0x0  }
0x19: {  	s7 =	sld [smem:$0x3F8D]  }
0x1a: {  	s8 =	sadd.s32 $0xFFFFE003, lr  }
0x1b: {  	s9 =	sadd.s32 $0xFFFFFEF7, lr;
	s5 =	simm.s32 $0xFFFFFFFF;
	p2 =	slt.u32 s8, $0xFFFFF086  }
0x1c: {  	p1 =	slt.u32 s9, $0xF7A;
	s5 =	simm.s32 @!p2 $0x0  }
0x1d: {  	s5 =	simm.s32 @p1 $0x1;
	p0 =	seq.s32 s7, s2  }
0x1e: {  	s7 =	smul.u32 @!p0 $0xF7A, s2;
	p2 =	seq.s32 @!p0 s5, $0x0  }
0x1f: {  	s9 =	smul.u32 $0xF7A, s1;
	s8 =	simm.s32 @!p0 $0x1BF5;
	p2 =	por !p2, p0  }
0x20: {  	[sflag:s8] =	ssyncset.s32 @!p0 $0xFFFFF086;
	s6 =	sadd.s32 @!p0 s3, s7;
	s7 =	simm.s32 @!p0 $0x108  }
0x21: {  	s3 =	sadd.s32 s3, s9;
	s6 =	sadd.s32 @!p0 $0x88, s6;
	s7 =	simm.s32 @p2 $0x1082  }
0x22: {  	[simem:s7], [sflag:s8] =	dma.local @!p0 [hbm:s6], $0xF7A  }
0x23: {  	s9 =	sor.u32 $0xD0000000, s2;
	s6 =	simm.s32 $0x108;
	_ =	swait.ge @!p0 [sflag:s8], $0x0  }
0x24: {  	s3 =	sadd.s32 $0x88, s3;
	s6 =	simm.s32 @!p1 $0x1082;
	[sflag:s4] =	ssyncset.s32 $0xFFFFF086  }
0x25: {  	[simem:s6], [sflag:s4] =	dma.local [hbm:s3], $0xF7A  }
0x26: {  	[smem:$0x3F8D] =	sst s1;
	(tag) =	ssettag s2;
	_ =	strace s9  }
0x27: {  	s1 =	sld [smem:$0x3F9D]  }
0x28: {  	s2 =	sld [smem:$0x3F9E]  }
0x29: {  	s4 =	sld [smem:$0x3FA0]  }
0x2a: {  	p0 =	seq.s32 s5, $0x0;
	s5 =	sld [smem:$0x3FA1]  }
0x2b: {  	s6 =	sld [smem:$0x3FA2]  }
0x2c: {  	s7 =	sld [smem:$0x3FA3]  }
0x2d: {  	s3 =	simm.s32 $0x108;
	s8 =	sld [smem:$0x3FA4]  }
0x2e: {  	s3 =	simm.s32 @!p0 $0x1082;
	s9 =	sld [smem:$0x3FA5]  }
0x2f: {  	lr =	sadd.s32 s0, s3;
	s0 =	sld [smem:$0x3F9C]  }
0x30: {  	s3 =	sld [smem:$0x3F9F]  }
0x31: {  	[smem:$0x3FA8] =	sst s10  }
0x32: {  	s10 =	sld [smem:$0x3FA6];
	_ =	sdelay $0x3  }
0x33: {  	p0 =	seq.s32 s10, $0x1;
	s10 =	sld [smem:$0x3FA8];
	_ =	sdelay $0x3  }
0x34: {  	[smem:$0x3FA8] =	sst s10  }
0x35: {  	s10 =	sld [smem:$0x3FA7];
	_ =	sdelay $0x3  }
0x36: {  	p1 =	seq.s32 s10, $0x1;
	s10 =	sld [smem:$0x3FA8];
	_ =	sdelay $0x3  }
0x37: {  	[smem:$0x3FA8] =	sst s10  }
0x38: {  	s10 =	sld [smem:$0x3FA9]  }
0x39: {  	_ = 	snop;
	(pc) =	sbr.ind lr, $3  }
0x3a: {  	_ = 	snop  }
0x3b: {  	_ = 	snop  }
0x3c: {  	p2 =	seq.s32 s10, $0x1;
	s10 =	sld [smem:$0x3FA8]  }
0x3d: {  	_ =	shalt  }
0x3e: {  	_ =	shalt  }
0x3f: {  	_ =	shalt  }
0x40: {  	_ =	shalt  }
0x41: {  	_ =	shalt  }
0x42: {  	_ =	shalt  }
0x43: {  	_ =	shalt  }
0x44: {  	_ =	shalt  }
0x45: {  	_ =	shalt  }
0x46: {  	_ =	shalt  }
0x47: {  	_ =	shalt  }
0x48: {  	_ =	shalt  }
0x49: {  	_ =	shalt  }
0x4a: {  	_ =	shalt  }
0x4b: {  	_ =	shalt  }
0x4c: {  	_ =	shalt  }
0x4d: {  	_ =	shalt  }
0x4e: {  	_ =	shalt  }
0x4f: {  	_ =	shalt  }
0x50: {  	_ =	shalt  }
0x51: {  	_ =	shalt  }
0x52: {  	_ =	shalt  }
0x53: {  	_ =	shalt  }
0x54: {  	_ =	shalt  }
0x55: {  	_ =	shalt  }
0x56: {  	_ =	shalt  }
0x57: {  	_ =	shalt  }
0x58: {  	_ =	shalt  }
0x59: {  	_ =	shalt  }
0x5a: {  	_ =	shalt  }
0x5b: {  	_ =	shalt  }
0x5c: {  	_ =	shalt  }
0x5d: {  	_ =	shalt  }
0x5e: {  	_ =	shalt  }
0x5f: {  	_ =	shalt  }
0x60: {  	_ =	shalt  }
0x61: {  	_ =	shalt  }
0x62: {  	_ =	shalt  }
0x63: {  	_ =	shalt  }
0x64: {  	_ =	shalt  }
0x65: {  	_ =	shalt  }
0x66: {  	_ =	shalt  }
0x67: {  	_ =	shalt  }
0x68: {  	_ =	shalt  }
0x69: {  	_ =	shalt  }
0x6a: {  	_ =	shalt  }
0x6b: {  	_ =	shalt  }
0x6c: {  	_ =	shalt  }
0x6d: {  	_ =	shalt  }
0x6e: {  	_ =	shalt  }
0x6f: {  	_ =	shalt  }
0x70: {  	_ =	shalt  }
0x71: {  	_ =	shalt  }
0x72: {  	_ =	shalt  }
0x73: {  	_ =	shalt  }
0x74: {  	_ =	shalt  }
0x75: {  	_ =	shalt  }
0x76: {  	_ =	shalt  }
0x77: {  	_ =	shalt  }
0x78: {  	_ =	shalt  }
0x79: {  	_ =	shalt  }
0x7a: {  	_ =	shalt  }
0x7b: {  	_ =	shalt  }
0x7c: {  	_ =	shalt  }
0x7d: {  	_ =	shalt  }
0x7e: {  	_ =	shalt  }
0x7f: {  	_ =	shalt  }
0x80: {  	_ =	shalt  }
0x81: {  	_ =	shalt  }
0x82: {  	_ =	shalt  }
0x83: {  	_ =	shalt  }
0x84: {  	_ =	shalt  }
0x85: {  	_ =	shalt  }
0x86: {  	_ =	shalt  }
0x87: {  	_ =	shalt  }
.Lfunc_end0:
.L_simem_size_0:
called_computation.1_lowered:
.L_overlay_start_0:
0x88: {  	s2 =	sld [smem:$0x3FD9]  }
0x89: {  	s3 =	sld [smem:$0x3FFE];
	_ =	sdelay $0x1  }
0x8a: {  	s1 =	srdreg.scid  }
0x8b: {  	s0 =	sand.u32 $0x1, s1  }
0x8c: {  	s16 =	sshll.u32 s0, $0xA;
	s2 =	sadd.s32 s3, s2  }
0x8d: {  	s2 =	sadd.s32 s2, s16  }
0x8e: {  	[smem:$0x3FB4] =	sst s2  }
0x8f: {  	_ = 	snop  }
0x90: {  	(tm) =	ssettm $0x1  }
0x91: {  	s17 =	sld [smem:$0x3FFB];
	_ =	sdelay $0x3  }
0x92: {  	_ =	strace s17  }
0x93: {  	s2 =	sld [smem:$0x3FFC];
	_ =	sdelay $0x3  }
0x94: {  	_ =	strace s2  }
0x95: {  	s2 =	sld [smem:$0x3FFD];
	_ =	sdelay $0x3  }
0x96: {  	_ =	strace s2  }
0x97: {  	_ =	strace $0x8FFFFFFF  }
0x98: {  	s18 =	sld [smem:$0x3FDB];
	_ =	sdelay $0x1  }
0x99: {  	s19 =	simm.s32 $_scs_section_size  }
0x9a: {  	s4 =	simm.s32 $_size__tile_overlayer_lowered;
	s5 =	simm.s32 $_tile_overlayer_lowered  }
0x9b: {  	s22 =	simm.s32 $0x1BFF;
	s21 =	sshll.u32 s5, $0x1;
	s2 =	sadd.s32 s19, s18  }
0x9c: {  	s6 =	simm.s32 $0x0;
	s20 =	sshll.u32 s4, $0x1;
	s4 =	sadd.s32 s21, s2  }
0x9d: {  	[timem:s6], [sflag:s22] =	dma.local [hbm:s4], s20  }
0x9e: {  	_ =	swait.ge [sflag:s22], s20  }
0x9f: {  	s3 =	ssub.s32 $0x0, s20;
	[sflag:s22] =	ssyncset.done $0x0  }
0xa0: {  	[sflag:s22] =	ssyncadd.s32 s3;
	_ =	sdelay $0x1  }
0xa1: {  	s23 =	simm.s32 $0x1B8B  }
0xa2: {  	_ =	swait.ge [sflag:s23], $0x1  }
0xa3: {  	[sflag:s23] =	ssyncset.done $0x0  }
0xa4: {  	s25 =	simm.s32 $0x1B8E;
	s24 =	sld [smem:$0x3FFE];
	[sflag:s23] =	ssyncadd.s32 $0xFFFFFFFF  }
0xa5: {  	s26 =	simm.s32 $execute0_lowered;
	[smem:$0x3FD2] =	sst s25  }
0xa6: {  	s4 =	sshll.u32 s26, $0x1;
	_ =	strace $0x80000049;
	[dreg:$0x1] =	wrdreg $0xFFFFFFFF  }
0xa7: {  	s28 =	simm.s32 $_size_execute0_lowered;
	s2 =	sadd.s32 s2, s4;
	[dreg:$0x0] =	wrdreg $0x0  }
0xa8: {  	s4 =	sshll.u32 s28, $0x1;
	[dreg:$0x2] =	wrdreg s2  }
0xa9: {  	[dreg:$0x3] =	wrdreg s4  }
0xaa: {  	[dreg:$0x4] =	wrdreg $0xC0  }
0xab: {  	_ =	task [dreg:s6], $0x5FFFF  }
0xac: {  	[dreg:$0x1] =	wrdreg $0xFFFFFFFF  }
0xad: {  	[dreg:$0x0] =	wrdreg $0x60  }
0xae: {  	[dreg:$0x2] =	wrdreg s24  }
0xaf: {  	[dreg:$0x3] =	wrdreg $0x2A000  }
0xb0: {  	[dreg:$0x4] =	wrdreg $0x9  }
0xb1: {  	_ =	task.clear_ibuf [dreg:s6], $0x5FFFF;
	_ =	strace $0x90000049  }
0xb2: {  	s29 =	simm.s32 $0x9;
	_ =	strace $0x8000004B  }
0xb3: {  	_ =	swait.ge [sflag:s29], $0x1  }
0xb4: {  	[sflag:s29] =	ssyncadd.s32 $0xFFFFFFFF  }
0xb5: {  	_ =	strace $0x9000004B  }
0xb6: {  	_ =	sfence  }
0xb7: {  	s30 =	sld [smem:$0x0];
	_ =	sdelay $0x2  }
0xb8: {  	s31 =	sshll.u32 s1, $0xD;
	s1 =	sshrl.u32 s1, $0x2  }
0xb9: {  	s3 =	sand.u32 $0x4000, s31;
	s1 =	sadd.s32 s1, s30  }
0xba: {  	s0 =	sor.u32 s3, s0;
	s1 =	sshll.u32 s1, $0x11  }
0xbb: {  	s0 =	sor.u32 s1, s0  }
0xbc: {  	s0 =	sadd.s32 $0x8F2B, s0  }
0xbd: {  	[sflag:s0] =	ssyncadd.remote.s32 $0x1  }
0xbe: {  	_ =	sfence.sel $0xFFFF  }
0xbf: {  	[dreg:$0x0] =	wrdreg $0xFFFFFFFF;
	(pc) =	sbr.abs _section_cstart, $3  }
0xc0: {  	[dreg:$0x1] =	wrdreg $0xFFFFFFFF  }
0xc1: {  	_ =	task.clear_ibuf [dreg:s6], $0x2FFFF;
	_ =	strace $0x9FFFFFFF  }
0xc2: {  	(tm) =	ssettm $0x7FFFFFFF  }
0xc3: {  	_ =	shalt  }
tec
execute0_lowered:
.L_overlay_start_1:
0x0: {  	(tag) =	ssettag $0x1  }
0x1: {  	s0 =	rddreg [dreg:$0x0];
	s1 =	srdreg.scid  }
0x2: {  	s2 =	rddreg [dreg:$0x1];
	s9 =	stileid.u32;
	s3 =	simm.s32 $0x0  }
0x3: {  	s28 =	simm.s32 $0x50;
	s29 =	simm.s32 $0x3;
	s6 =	smul.u32 $0x14000, s9  }
0x4: {  	s30 =	simm.s32 $0x2;
	s31 =	simm.s32 $0x0;
	s7 =	smul.u32 $0x6A, s9  }
0x5: {  	s1 =	sand.u32 $0x1, s1;
	[smem:$0x7FF] =	sst s3;
	s8 =	smul.u32 $0x92, s9  }
0x6: {  	s4 =	sadd.s32 $0xD800, s0;
	s19 =	sadd.s32 $0x5D800, s0;
	s21 =	smul.u32 $0x50000, s9  }
0x7: {  	s20 =	sadd.s32 $0x3A00, s0;
	s5 =	smul.u32 $0x140000, s1;
	_ =	strace $0x8000004A  }
0x8: {  	p0 =	seq.s32 s1, $0x0;
	s1 =	ssub.s32 $0x2, s1;
	s7 =	sadd.s32 $0x920, s7  }
0x9: {  	s18 =	sshrl.u32 s1, $0x1;
	s23 =	sshrl.u32 s21, $0x2;
	s21 =	simm.s32 $0x100  }
0xa: {  	s5 =	sadd.s32 s6, s5;
	s7 =	smov.u32 @p0 s8;
	s1 =	ssub.s32 s1, s18  }
0xb: {  	s9 =	sadd.s32 s23, s2;
	s23 =	simm.s32 $0x4;
	s5 =	sshrl.u32 s5, $0x3  }
0xc: {  	s17 =	smul.u32 $0x50, s7;
	s24 =	smax.u32 s1, $0x1;
	s12 =	sadd.s32 $0x2800, s9  }
0xd: {  	s13 =	sadd.s32 $0x5000, s9;
	s14 =	sadd.s32 $0x7800, s9;
	s25 =	smul.u32 $0xA, s7  }
0xe: {  	s15 =	sadd.s32 $0xA000, s9;
	s16 =	sadd.s32 $0xC800, s9;
	s18 =	sadd.s32 $0x11800, s9  }
0xf: {  	s0 =	sadd.s32 s5, s0;
	s5 =	simm.s32 $0x49;
	[dreg:$0x6] =	wrdreg s24  }
0x10: {  	s24 =	simm.s32 $0x80;
	s6 =	sshrl.u32 s17, $0x3;
	s5 =	simm.s32 @!p0 $0x35  }
0x11: {  	s0 =	sadd.s32 $0x67600, s0;
	s17 =	sadd.s32 $0xF000, s9;
	s26 =	sadd.s32 s25, s20  }
0x12: {  	s22 =	sadd.s32 s19, s6;
	s6 =	sadd.s32 s20, s6;
	s8 =	sadd.s32 $0xFFFFFFFF, s5  }
0x13: {  	[dreg:$0x5] =	wrdreg s0;
	s0 =	sadd.s32 s25, s19;
	s1 =	sadd.s32 $0x14, s26  }
0x14: {  	s25 =	simm.s32 $0x180;
	s26 =	simm.s32 $0x1;
	[dreg:$0x3] =	wrdreg s22  }
0x15: {  	v0 =	vimm.f32 $0.0e+00;
	[dreg:$0x4] =	wrdreg s6;
	s6 =	sadd.s32 $0x14, s0;
	s22 =	simm.s32 $0x200  }
.LBB2_1:
0x16: {  	s0 =	rddreg [dreg:$0x3]  }
0x17: {  	[tilespmem:s3], [sflag:$0x1] =	stream.linear.gather [hbm4b:s0+s3], $0x50, $0x38;
	[tilespmem:$0x16A00] =	vst v63  }
0x18: {  	s20 =	rddreg [dreg:$0x4];
	s7 =	simm.s32 $0x3C0;
	s0 =	simm.s32 $0x70  }
0x19: {  	[tilespmem:s21], [sflag:$0x1] =	stream.linear.gather [hbm4b:s20+s3], $0x50, $0x38;
	[tilespmem:$0x16A00] =	vst v63  }
.LBB2_2:
0x1a: {  	p0 =	sne.s32 s7, $0x9FC0;
	[tilespmem:s0+$0x200] =	vst v0  }
0x1b: {  	[tilespmem:s0+$0x190] =	vst v0  }
0x1c: {  	[tilespmem:s0+$0x1A0] =	vst v0  }
.Ltmp0:
0x1d: {  	[tilespmem:s0+$0x1B0] =	vst v0;
	(pc) =	sbr.rel @p0 .LBB2_2-.Ltmp0, $4  }
0x1e: {  	[tilespmem:s0+$0x1C0] =	vst v0  }
0x1f: {  	[tilespmem:s0+$0x1D0] =	vst v0  }
0x20: {  	[tilespmem:s0+$0x1E0] =	vst v0  }
0x21: {  	[tilespmem:s0+$0x1F0] =	vst v0;
	s0 =	sshra.s32 s7, $0x2;
	s7 =	sadd.s32 $0x200, s7  }
0x22: {  	[tilespmem:s0+$0x200] =	vst v0  }
0x23: {  	[tilespmem:s0+$0x190] =	vst v0  }
0x24: {  	[tilespmem:s0+$0x1A0] =	vst v0  }
0x25: {  	[tilespmem:s0+$0x1B0] =	vst v0  }
0x26: {  	[tilespmem:s0+$0x1C0] =	vst v0  }
0x27: {  	[tilespmem:s0+$0x1D0] =	vst v0  }
0x28: {  	[tilespmem:s0+$0x1E0] =	vst v0  }
0x29: {  	[tilespmem:s0+$0x1F0] =	vst v0  }
0x2a: {  	[spmem:s9] =	stream.linear.scatter [tilespmem:s22], [sflag:$0x4], $0x2800, $0x38;
	[tilespmem:$0x16A00] =	vst v63  }
0x2b: {  	_ =	swait.ge [sflag:s23], $0x2800  }
0x2c: {  	[sflag:s23] =	ssyncset.done $0x0  }
0x2d: {  	[sflag:s23] =	ssyncadd.s32 $0xFFFFD800  }
0x2e: {  	[spmem:s12] =	stream.linear.scatter [tilespmem:s22], [sflag:$0x4], $0x2800, $0x38;
	[tilespmem:$0x16A00] =	vst v63  }
0x2f: {  	_ =	swait.ge [sflag:s23], $0x2800  }
0x30: {  	[sflag:s23] =	ssyncset.done $0x0  }
0x31: {  	[sflag:s23] =	ssyncadd.s32 $0xFFFFD800  }
0x32: {  	[spmem:s13] =	stream.linear.scatter [tilespmem:s22], [sflag:$0x4], $0x2800, $0x38;
	[tilespmem:$0x16A00] =	vst v63  }
0x33: {  	_ =	swait.ge [sflag:s23], $0x2800  }
0x34: {  	[sflag:s23] =	ssyncset.done $0x0  }
0x35: {  	[sflag:s23] =	ssyncadd.s32 $0xFFFFD800  }
0x36: {  	[spmem:s14] =	stream.linear.scatter [tilespmem:s22], [sflag:$0x4], $0x2800, $0x38;
	[tilespmem:$0x16A00] =	vst v63  }
0x37: {  	_ =	swait.ge [sflag:s23], $0x2800  }
0x38: {  	[sflag:s23] =	ssyncset.done $0x0  }
0x39: {  	[sflag:s23] =	ssyncadd.s32 $0xFFFFD800  }
0x3a: {  	[spmem:s15] =	stream.linear.scatter [tilespmem:s22], [sflag:$0x4], $0x2800, $0x38;
	[tilespmem:$0x16A00] =	vst v63  }
0x3b: {  	_ =	swait.ge [sflag:s23], $0x2800  }
0x3c: {  	[sflag:s23] =	ssyncset.done $0x0  }
0x3d: {  	[sflag:s23] =	ssyncadd.s32 $0xFFFFD800  }
0x3e: {  	[spmem:s16] =	stream.linear.scatter [tilespmem:s22], [sflag:$0x4], $0x2800, $0x38;
	[tilespmem:$0x16A00] =	vst v63  }
0x3f: {  	_ =	swait.ge [sflag:s23], $0x2800  }
0x40: {  	[sflag:s23] =	ssyncset.done $0x0  }
0x41: {  	[sflag:s23] =	ssyncadd.s32 $0xFFFFD800  }
0x42: {  	[spmem:s17] =	stream.linear.scatter [tilespmem:s22], [sflag:$0x4], $0x2800, $0x38;
	[tilespmem:$0x16A00] =	vst v63  }
0x43: {  	_ =	swait.ge [sflag:s23], $0x2800  }
0x44: {  	[sflag:s23] =	ssyncset.done $0x0  }
0x45: {  	p1 =	sne.s32 s5, $0x1;
	[sflag:s23] =	ssyncadd.s32 $0xFFFFD800  }
0x46: {  	[spmem:s18] =	stream.linear.scatter [tilespmem:s22], [sflag:$0x4], $0x2800, $0x38;
	[tilespmem:$0x16A00] =	vst v63  }
.Ltmp1:
0x47: {  	_ =	swait.ge [sflag:s23], $0x2800;
	(pc) =	sbr.rel @!p1 .LBB2_8-.Ltmp1, $4  }
0x48: {  	[sflag:s23] =	ssyncset.done $0x0  }
0x49: {  	[sflag:s23] =	ssyncadd.s32 $0xFFFFD800  }
0x4a: {  	s7 =	simm.s32 $0x0;
	s0 =	simm.s32 $0x1;
	[bflag:$0x0] =	sbarrier.arrive $0xFFFF  }
0x4b: {  	p0 =	por $0x0, $0x0;
	s20 =	smov.u32 s6;
	s19 =	smov.u32 s1  }
0x4c: {  	s7 =	sadd.s32 $0xFFFFFFF6, s6  }
0x4d: {  	[tilespmem:s24], [sflag:$0x2] =	stream.linear.gather [hbm4b:s7+s3], $0x50, $0x38;
	[tilespmem:$0x16A00] =	vst v63  }
0x4e: {  	s20 =	sadd.s32 $0xFFFFFFF6, s1  }
0x4f: {  	[tilespmem:s25], [sflag:$0x2] =	stream.linear.gather [hbm4b:s20+s3], $0x50, $0x38;
	[tilespmem:$0x16A00] =	vst v63  }
0x50: {  	_ =	swait.ge [sflag:s26], $0x50  }
0x51: {  	[sflag:s26] =	ssyncset.done $0x0  }
0x52: {  	[sflag:s26] =	ssyncadd.s32 $0xFFFFFFB0  }
0x53: {  	_ =	swait.ge [sflag:s26], $0x50  }
0x54: {  	[sflag:s26] =	ssyncset.done $0x0  }
0x55: {  	[sflag:s26] =	ssyncadd.s32 $0xFFFFFFB0  }
0x56: {  	[tilespmem:s22], [sflag:$0x3] =	stream.indirect.gather [hbm4b:s4+s28], $0x80, s3, s28, $0xb8;
	[tilespmem:$0x16A00] =	vst v63  }
0x57: {  	_ =	swait.ge [sflag:s29], $0x2800  }
0x58: {  	[sflag:s29] =	ssyncset.done $0x0  }
0x59: {  	[sflag:s29] =	ssyncadd.s32 $0xFFFFD800  }
0x5a: {  	[spmem:s2] =	stream.indirect.scatter.add.f32 [tilespmem:s22], [sflag:$0x4], $0x80, s21, s28, $0xb8;
	[tilespmem:$0x16A00] =	vst v63  }
0x5b: {  	_ =	swait.ge [sflag:s23], $0x2800  }
0x5c: {  	p0 =	sle.u32 s8, $0x0;
	[sflag:s23] =	ssyncset.done $0x0  }
0x5d: {  	s7 =	simm.s32 @!p0 $0x0;
	[sflag:s23] =	ssyncadd.s32 $0xFFFFD800  }
0x5e: {  	[tilespmem:s7], [sflag:$0x1] =	stream.linear.gather @!p0 [hbm4b:s6+s7], $0x50, $0x38;
	[tilespmem:$0x16A00] =	vst v63  }
0x5f: {  	s19 =	simm.s32 @!p0 $0x100  }
0x60: {  	[tilespmem:s19], [sflag:$0x1] =	stream.linear.gather @!p0 [hbm4b:s1+s7], $0x50, $0x38;
	[tilespmem:$0x16A00] =	vst v63  }
0x61: {  	_ =	swait.ge [sflag:s30], $0x50  }
0x62: {  	[sflag:s30] =	ssyncset.done $0x0  }
0x63: {  	[sflag:s30] =	ssyncadd.s32 $0xFFFFFFB0  }
0x64: {  	_ =	swait.ge [sflag:s30], $0x50  }
0x65: {  	[sflag:s30] =	ssyncset.done $0x0  }
0x66: {  	[sflag:s30] =	ssyncadd.s32 $0xFFFFFFB0  }
0x67: {  	[tilespmem:s22], [sflag:$0x3] =	stream.indirect.gather [hbm4b:s4+s28], $0x80, s24, s28, $0xb8;
	[tilespmem:$0x16A00] =	vst v63  }
0x68: {  	p1 =	sne.s32 s5, $0x2;
	_ =	swait.ge [sflag:s29], $0x2800  }
.Ltmp2:
0x69: {  	[sflag:s29] =	ssyncset.done $0x0;
	(pc) =	sbr.rel @!p1 .LBB2_5-.Ltmp2, $4  }
0x6a: {  	[sflag:s29] =	ssyncadd.s32 $0xFFFFD800  }
0x6b: {  	[spmem:s2] =	stream.indirect.scatter.add.f32 [tilespmem:s22], [sflag:$0x4], $0x80, s25, s28, $0xb8;
	[tilespmem:$0x16A00] =	vst v63  }
0x6c: {  	s20 =	sadd.s32 $0x14, s6;
	s7 =	simm.s32 $0x2;
	_ =	swait.ge [sflag:s23], $0x2800  }
0x6d: {  	s19 =	sadd.s32 $0x14, s1;
	p0 =	por $0x1, $0x1;
	[sflag:s23] =	ssyncset.done $0x0  }
.LBB2_6:
0x6e: {  	s10 =	sadd.s32 $0xFFFFFFF6, s20  }
0x6f: {  	[sflag:s23] =	ssyncadd.s32 $0xFFFFD800;
	s11 =	smov.u32 s7;
	s7 =	sadd.s32 $0x1, s7  }
0x70: {  	[tilespmem:s24], [sflag:$0x2] =	stream.linear.gather [hbm4b:s10+s3], $0x50, $0x38;
	[tilespmem:$0x16A00] =	vst v63  }
0x71: {  	p1 =	sne.s32 s5, s7;
	s10 =	sadd.s32 $0xFFFFFFF6, s19  }
0x72: {  	[tilespmem:s25], [sflag:$0x2] =	stream.linear.gather [hbm4b:s10+s3], $0x50, $0x38;
	[tilespmem:$0x16A00] =	vst v63  }
0x73: {  	_ =	swait.ge [sflag:s26], $0x50  }
0x74: {  	[sflag:s26] =	ssyncset.done $0x0  }
0x75: {  	[sflag:s26] =	ssyncadd.s32 $0xFFFFFFB0  }
0x76: {  	_ =	swait.ge [sflag:s26], $0x50  }
0x77: {  	[sflag:s26] =	ssyncset.done $0x0  }
0x78: {  	[sflag:s26] =	ssyncadd.s32 $0xFFFFFFB0  }
0x79: {  	[tilespmem:s22], [sflag:$0x3] =	stream.indirect.gather [hbm4b:s4+s28], $0x80, s3, s28, $0xb8;
	[tilespmem:$0x16A00] =	vst v63  }
0x7a: {  	_ =	swait.ge [sflag:s29], $0x2800  }
0x7b: {  	[sflag:s29] =	ssyncset.done $0x0  }
0x7c: {  	[sflag:s29] =	ssyncadd.s32 $0xFFFFD800  }
0x7d: {  	[spmem:s2] =	stream.indirect.scatter.add.f32 [tilespmem:s22], [sflag:$0x4], $0x80, s21, s28, $0xb8;
	[tilespmem:$0x16A00] =	vst v63  }
0x7e: {  	_ =	swait.ge [sflag:s23], $0x2800  }
0x7f: {  	p2 =	sge.u32 s0, s8;
	s0 =	smov.u32 s11;
	[sflag:s23] =	ssyncset.done $0x0  }
0x80: {  	s10 =	simm.s32 @!p2 $0x0;
	[sflag:s23] =	ssyncadd.s32 $0xFFFFD800  }
0x81: {  	[tilespmem:s10], [sflag:$0x1] =	stream.linear.gather @!p2 [hbm4b:s20+s10], $0x50, $0x38;
	[tilespmem:$0x16A00] =	vst v63  }
0x82: {  	s11 =	simm.s32 @!p2 $0x100  }
0x83: {  	[tilespmem:s11], [sflag:$0x1] =	stream.linear.gather @!p2 [hbm4b:s19+s10], $0x50, $0x38;
	[tilespmem:$0x16A00] =	vst v63  }
0x84: {  	_ =	swait.ge [sflag:s30], $0x50  }
0x85: {  	[sflag:s30] =	ssyncset.done $0x0  }
0x86: {  	[sflag:s30] =	ssyncadd.s32 $0xFFFFFFB0  }
0x87: {  	_ =	swait.ge [sflag:s30], $0x50  }
0x88: {  	[sflag:s30] =	ssyncset.done $0x0  }
0x89: {  	[sflag:s30] =	ssyncadd.s32 $0xFFFFFFB0  }
0x8a: {  	[tilespmem:s22], [sflag:$0x3] =	stream.indirect.gather [hbm4b:s4+s28], $0x80, s24, s28, $0xb8;
	[tilespmem:$0x16A00] =	vst v63  }
0x8b: {  	_ =	swait.ge [sflag:s29], $0x2800  }
.Ltmp3:
0x8c: {  	[sflag:s29] =	ssyncset.done $0x0;
	(pc) =	sbr.rel @p1 .LBB2_6-.Ltmp3, $4  }
0x8d: {  	[sflag:s29] =	ssyncadd.s32 $0xFFFFD800  }
0x8e: {  	[spmem:s2] =	stream.indirect.scatter.add.f32 [tilespmem:s22], [sflag:$0x4], $0x80, s25, s28, $0xb8;
	[tilespmem:$0x16A00] =	vst v63  }
0x8f: {  	_ =	swait.ge [sflag:s23], $0x2800  }
0x90: {  	s20 =	sadd.s32 $0x14, s20;
	s19 =	sadd.s32 $0x14, s19;
	[sflag:s23] =	ssyncset.done $0x0  }
0x91: {  	s7 =	smov.u32 s0  }
.LBB2_8:
0x92: {  	s0 =	sadd.s32 $0xFFFFFFF6, s20;
	[sflag:s23] =	ssyncadd.s32 @p0 $0xFFFFD800  }
0x93: {  	[tilespmem:s24], [sflag:$0x2] =	stream.linear.gather [hbm4b:s0+s3], $0x50, $0x38;
	[tilespmem:$0x16A00] =	vst v63  }
0x94: {  	s10 =	sadd.s32 $0xFFFFFFF6, s19  }
0x95: {  	[tilespmem:s25], [sflag:$0x2] =	stream.linear.gather [hbm4b:s10+s3], $0x50, $0x38;
	[tilespmem:$0x16A00] =	vst v63  }
0x96: {  	_ =	swait.ge [sflag:s26], $0x50  }
0x97: {  	[sflag:s26] =	ssyncset.done $0x0  }
0x98: {  	[sflag:s26] =	ssyncadd.s32 $0xFFFFFFB0  }
0x99: {  	_ =	swait.ge [sflag:s26], $0x50  }
0x9a: {  	[sflag:s26] =	ssyncset.done $0x0  }
0x9b: {  	[sflag:s26] =	ssyncadd.s32 $0xFFFFFFB0  }
0x9c: {  	[tilespmem:s22], [sflag:$0x3] =	stream.indirect.gather [hbm4b:s4+s28], $0x80, s3, s28, $0xb8;
	[tilespmem:$0x16A00] =	vst v63  }
0x9d: {  	_ =	swait.ge [sflag:s29], $0x2800  }
0x9e: {  	[sflag:s29] =	ssyncset.done $0x0  }
0x9f: {  	[sflag:s29] =	ssyncadd.s32 $0xFFFFD800  }
0xa0: {  	[spmem:s2] =	stream.indirect.scatter.add.f32 [tilespmem:s22], [sflag:$0x4], $0x80, s21, s28, $0xb8;
	[tilespmem:$0x16A00] =	vst v63  }
0xa1: {  	_ =	swait.ge [sflag:s23], $0x2800  }
0xa2: {  	p0 =	sge.u32 s7, s8;
	[sflag:s23] =	ssyncset.done $0x0  }
0xa3: {  	s0 =	simm.s32 @!p0 $0x0;
	[sflag:s23] =	ssyncadd.s32 $0xFFFFD800  }
0xa4: {  	[tilespmem:s0], [sflag:$0x1] =	stream.linear.gather @!p0 [hbm4b:s20+s0], $0x50, $0x38;
	[tilespmem:$0x16A00] =	vst v63  }
0xa5: {  	s7 =	simm.s32 @!p0 $0x100  }
0xa6: {  	[tilespmem:s7], [sflag:$0x1] =	stream.linear.gather @!p0 [hbm4b:s19+s0], $0x50, $0x38;
	[tilespmem:$0x16A00] =	vst v63  }
0xa7: {  	_ =	swait.ge [sflag:s30], $0x50  }
0xa8: {  	[sflag:s30] =	ssyncset.done $0x0  }
0xa9: {  	[sflag:s30] =	ssyncadd.s32 $0xFFFFFFB0  }
0xaa: {  	_ =	swait.ge [sflag:s30], $0x50  }
0xab: {  	[sflag:s30] =	ssyncset.done $0x0  }
0xac: {  	[sflag:s30] =	ssyncadd.s32 $0xFFFFFFB0  }
0xad: {  	[tilespmem:s22], [sflag:$0x3] =	stream.indirect.gather [hbm4b:s4+s28], $0x80, s24, s28, $0xb8;
	[tilespmem:$0x16A00] =	vst v63  }
0xae: {  	_ =	swait.ge [sflag:s29], $0x2800  }
0xaf: {  	[sflag:s29] =	ssyncset.done $0x0  }
0xb0: {  	[sflag:s29] =	ssyncadd.s32 $0xFFFFD800  }
0xb1: {  	[spmem:s2] =	stream.indirect.scatter.add.f32 [tilespmem:s22], [sflag:$0x4], $0x80, s25, s28, $0xb8;
	[tilespmem:$0x16A00] =	vst v63  }
0xb2: {  	_ =	swait.ge [sflag:s23], $0x2800  }
0xb3: {  	[sflag:s23] =	ssyncset.done $0x0  }
0xb4: {  	s11 =	stileid.u32;
	[sflag:s23] =	ssyncadd.s32 $0xFFFFD800  }
0xb5: {  	s0 =	sshll.u32 s11, $0x6;
	[bflag:$0x0] =	sbarrier.arrive $0xFFFF  }
0xb6: {  	s19 =	sshrl.u32 s9, $0x3;
	s0 =	sor.u32 $0x1C04, s0;
	s10 =	rddreg [dreg:$0x5]  }
0xb7: {  	[hbm:s10], [sflag:s0] =	dma.local [spmem:s19], $0x2800  }
0xb8: {  	_ =	swait.ge [sflag:s23], $0x2800  }
0xb9: {  	s31 =	sadd.s32 $0x1, s31;
	s20 =	rddreg [dreg:$0x6]  }
0xba: {  	p0 =	sne.s32 s31, s20  }
.Ltmp4:
0xbb: {  	_ = 	snop;
	(pc) =	sbr.rel @p0 .LBB2_1-.Ltmp4, $4  }
.Ltmp5:
0xbc: {  	_ = 	snop;
	(pc) =	sbr.rel @!p0 .LBB2_9-.Ltmp5, $4  }
0xbd: {  	_ = 	snop  }
0xbe: {  	[sflag:s23] =	ssyncset.done $0x0  }
0xbf: {  	[sflag:s23] =	ssyncadd.s32 $0xFFFFD800  }
0xc0: {  	_ = 	snop  }
.LBB2_5:
.Ltmp6:
0xc1: {  	(pc) =	sbr.rel .LBB2_8-.Ltmp6, $2  }
0xc2: {  	_ =	sdelay $0x2  }
0xc3: {  	s7 =	simm.s32 $0x1  }
.LBB2_9:
0xc4: {  	_ =	sfence.sel $0x180000  }
0xc5: {  	[bflag:$0x0] =	sbarrier.arrive $0xFFFF  }
0xc6: {  	_ =	strace $0x9000004A  }
0xc7: {  	s0 =	stileid.u32;
	[bflag:$0x2] =	sbarrier.arrive $0xFFFF  }
0xc8: {  	p0 =	sne.s32 s0, $0x0;
	s0 =	rddreg [dreg:$0x2]  }
0xc9: {  	s0 =	sadd.s32 @!p0 $0x100000, s0  }
0xca: {  	[sflag:s0] =	ssyncadd.tile.s32 @!p0 $0x1;
	_ =	shalt  }
.Lfunc_end2:
_tile_overlayer_lowered:
.L_overlay_start_2:
0xcb: {  	(tag) =	ssettag $0x2  }
0xcc: {  	s0 =	rddreg [dreg:$0x0];
	s2 =	stileid.u32  }
0xcd: {  	s1 =	rddreg [dreg:$0x1];
	p0 =	sne.s32 s2, $0x0  }
0xce: {  	s3 =	rddreg [dreg:$0x2];
	[bflag:$0x3] =	sbarrier.arrive $0xFFFF;
	s2 =	simm.s32 @!p0 $0x1C04  }
0xcf: {  	[timem:s3], [sflag:s2] =	dma.local @!p0 [hbm:s0], s1  }
0xd0: {  	s0 =	simm.s32 @!p0 $0x4  }
0xd1: {  	_ =	swait.ge @!p0 [sflag:s0], s1  }
0xd2: {  	s1 =	ssub.s32 @!p0 $0x0, s1;
	[sflag:s0] =	ssyncset.done @!p0 $0x0  }
0xd3: {  	[sflag:s0] =	ssyncadd.s32 @!p0 s1  }
0xd4: {  	[bflag:$0x3] =	sbarrier.arrive $0xFFFF  }
0xd5: {  	_ =	shalt  }

// kernel: kernel.14.cloned.1.call-start
scs
__scs_entry_jumppad:
0x0: {  	(pc) =	sbr.rel $0x88, $3  }
0x1: {  	(tag) =	ssettag $0x0;
	lr =	simm.s32 $0x1  }
0x2: {  	[smem:$0x3F8D] =	sst lr;
	_ =	strace $0xD0000000  }
0x3: {  	_ = 	snop  }
0x4: {  	_ = 	snop  }
0x5: {  	_ = 	snop  }
0x6: {  	_ = 	snop  }
0x7: {  	_ = 	snop  }
__scs_overlays_trampoline_lowered:
0x8: {  	[smem:$0x3F9C] =	sst s0  }
0x9: {  	[smem:$0x3F9D] =	sst s1  }
0xa: {  	[smem:$0x3F9E] =	sst s2  }
0xb: {  	[smem:$0x3F9F] =	sst s3  }
0xc: {  	[smem:$0x3FA0] =	sst s4  }
0xd: {  	[smem:$0x3FA1] =	sst s5  }
0xe: {  	[smem:$0x3FA2] =	sst s6  }
0xf: {  	[smem:$0x3FA3] =	sst s7  }
0x10: {  	[smem:$0x3FA4] =	sst s8  }
0x11: {  	[smem:$0x3FA5] =	sst s9;
	s0 =	simm.s32 @!p0 $0x0  }
0x12: {  	s1 =	sld [smem:$0x3F8B];
	s0 =	simm.s32 @p0 $0x1  }
0x13: {  	[smem:$0x3FA6] =	sst s0;
	s0 =	simm.s32 @!p1 $0x0  }
0x14: {  	s2 =	sld [smem:$0x3F8A];
	s0 =	simm.s32 @p1 $0x1  }
0x15: {  	[smem:$0x3FA7] =	sst s0;
	s0 =	simm.s32 @!p2 $0x0  }
0x16: {  	s3 =	sld [smem:$0x3FDB];
	s0 =	simm.s32 @p2 $0x1  }
0x17: {  	s4 =	simm.s32 $0x1BF5;
	[smem:$0x3FA9] =	sst s0  }
0x18: {  	s0 =	sld [smem:$0x3F8C];
	_ =	swait.ge [sflag:s4], $0x0  }
0x19: {  	s7 =	sld [smem:$0x3F8D]  }
0x1a: {  	s8 =	sadd.s32 $0xFFFFE003, lr  }
0x1b: {  	s9 =	sadd.s32 $0xFFFFFEF7, lr;
	s5 =	simm.s32 $0xFFFFFFFF;
	p2 =	slt.u32 s8, $0xFFFFF086  }
0x1c: {  	p1 =	slt.u32 s9, $0xF7A;
	s5 =	simm.s32 @!p2 $0x0  }
0x1d: {  	s5 =	simm.s32 @p1 $0x1;
	p0 =	seq.s32 s7, s2  }
0x1e: {  	s7 =	smul.u32 @!p0 $0xF7A, s2;
	p2 =	seq.s32 @!p0 s5, $0x0  }
0x1f: {  	s9 =	smul.u32 $0xF7A, s1;
	s8 =	simm.s32 @!p0 $0x1BF5;
	p2 =	por !p2, p0  }
0x20: {  	[sflag:s8] =	ssyncset.s32 @!p0 $0xFFFFF086;
	s6 =	sadd.s32 @!p0 s3, s7;
	s7 =	simm.s32 @!p0 $0x108  }
0x21: {  	s3 =	sadd.s32 s3, s9;
	s6 =	sadd.s32 @!p0 $0x88, s6;
	s7 =	simm.s32 @p2 $0x1082  }
0x22: {  	[simem:s7], [sflag:s8] =	dma.local @!p0 [hbm:s6], $0xF7A  }
0x23: {  	s9 =	sor.u32 $0xD0000000, s2;
	s6 =	simm.s32 $0x108;
	_ =	swait.ge @!p0 [sflag:s8], $0x0  }
0x24: {  	s3 =	sadd.s32 $0x88, s3;
	s6 =	simm.s32 @!p1 $0x1082;
	[sflag:s4] =	ssyncset.s32 $0xFFFFF086  }
0x25: {  	[simem:s6], [sflag:s4] =	dma.local [hbm:s3], $0xF7A  }
0x26: {  	[smem:$0x3F8D] =	sst s1;
	(tag) =	ssettag s2;
	_ =	strace s9  }
0x27: {  	s1 =	sld [smem:$0x3F9D]  }
0x28: {  	s2 =	sld [smem:$0x3F9E]  }
0x29: {  	s4 =	sld [smem:$0x3FA0]  }
0x2a: {  	p0 =	seq.s32 s5, $0x0;
	s5 =	sld [smem:$0x3FA1]  }
0x2b: {  	s6 =	sld [smem:$0x3FA2]  }
0x2c: {  	s7 =	sld [smem:$0x3FA3]  }
0x2d: {  	s3 =	simm.s32 $0x108;
	s8 =	sld [smem:$0x3FA4]  }
0x2e: {  	s3 =	simm.s32 @!p0 $0x1082;
	s9 =	sld [smem:$0x3FA5]  }
0x2f: {  	lr =	sadd.s32 s0, s3;
	s0 =	sld [smem:$0x3F9C]  }
0x30: {  	s3 =	sld [smem:$0x3F9F]  }
0x31: {  	[smem:$0x3FA8] =	sst s10  }
0x32: {  	s10 =	sld [smem:$0x3FA6];
	_ =	sdelay $0x3  }
0x33: {  	p0 =	seq.s32 s10, $0x1;
	s10 =	sld [smem:$0x3FA8];
	_ =	sdelay $0x3  }
0x34: {  	[smem:$0x3FA8] =	sst s10  }
0x35: {  	s10 =	sld [smem:$0x3FA7];
	_ =	sdelay $0x3  }
0x36: {  	p1 =	seq.s32 s10, $0x1;
	s10 =	sld [smem:$0x3FA8];
	_ =	sdelay $0x3  }
0x37: {  	[smem:$0x3FA8] =	sst s10  }
0x38: {  	s10 =	sld [smem:$0x3FA9]  }
0x39: {  	_ = 	snop;
	(pc) =	sbr.ind lr, $3  }
0x3a: {  	_ = 	snop  }
0x3b: {  	_ = 	snop  }
0x3c: {  	p2 =	seq.s32 s10, $0x1;
	s10 =	sld [smem:$0x3FA8]  }
0x3d: {  	_ =	shalt  }
0x3e: {  	_ =	shalt  }
0x3f: {  	_ =	shalt  }
0x40: {  	_ =	shalt  }
0x41: {  	_ =	shalt  }
0x42: {  	_ =	shalt  }
0x43: {  	_ =	shalt  }
0x44: {  	_ =	shalt  }
0x45: {  	_ =	shalt  }
0x46: {  	_ =	shalt  }
0x47: {  	_ =	shalt  }
0x48: {  	_ =	shalt  }
0x49: {  	_ =	shalt  }
0x4a: {  	_ =	shalt  }
0x4b: {  	_ =	shalt  }
0x4c: {  	_ =	shalt  }
0x4d: {  	_ =	shalt  }
0x4e: {  	_ =	shalt  }
0x4f: {  	_ =	shalt  }
0x50: {  	_ =	shalt  }
0x51: {  	_ =	shalt  }
0x52: {  	_ =	shalt  }
0x53: {  	_ =	shalt  }
0x54: {  	_ =	shalt  }
0x55: {  	_ =	shalt  }
0x56: {  	_ =	shalt  }
0x57: {  	_ =	shalt  }
0x58: {  	_ =	shalt  }
0x59: {  	_ =	shalt  }
0x5a: {  	_ =	shalt  }
0x5b: {  	_ =	shalt  }
0x5c: {  	_ =	shalt  }
0x5d: {  	_ =	shalt  }
0x5e: {  	_ =	shalt  }
0x5f: {  	_ =	shalt  }
0x60: {  	_ =	shalt  }
0x61: {  	_ =	shalt  }
0x62: {  	_ =	shalt  }
0x63: {  	_ =	shalt  }
0x64: {  	_ =	shalt  }
0x65: {  	_ =	shalt  }
0x66: {  	_ =	shalt  }
0x67: {  	_ =	shalt  }
0x68: {  	_ =	shalt  }
0x69: {  	_ =	shalt  }
0x6a: {  	_ =	shalt  }
0x6b: {  	_ =	shalt  }
0x6c: {  	_ =	shalt  }
0x6d: {  	_ =	shalt  }
0x6e: {  	_ =	shalt  }
0x6f: {  	_ =	shalt  }
0x70: {  	_ =	shalt  }
0x71: {  	_ =	shalt  }
0x72: {  	_ =	shalt  }
0x73: {  	_ =	shalt  }
0x74: {  	_ =	shalt  }
0x75: {  	_ =	shalt  }
0x76: {  	_ =	shalt  }
0x77: {  	_ =	shalt  }
0x78: {  	_ =	shalt  }
0x79: {  	_ =	shalt  }
0x7a: {  	_ =	shalt  }
0x7b: {  	_ =	shalt  }
0x7c: {  	_ =	shalt  }
0x7d: {  	_ =	shalt  }
0x7e: {  	_ =	shalt  }
0x7f: {  	_ =	shalt  }
0x80: {  	_ =	shalt  }
0x81: {  	_ =	shalt  }
0x82: {  	_ =	shalt  }
0x83: {  	_ =	shalt  }
0x84: {  	_ =	shalt  }
0x85: {  	_ =	shalt  }
0x86: {  	_ =	shalt  }
0x87: {  	_ =	shalt  }
.Lfunc_end0:
.L_simem_size_0:
called_computation.2_lowered:
.L_overlay_start_0:
0x88: {  	s2 =	sld [smem:$0x3FD9]  }
0x89: {  	s3 =	sld [smem:$0x3FFE];
	_ =	sdelay $0x1  }
0x8a: {  	s1 =	srdreg.scid  }
0x8b: {  	s0 =	sand.u32 $0x1, s1  }
0x8c: {  	s16 =	sshll.u32 s0, $0xA;
	s2 =	sadd.s32 s3, s2  }
0x8d: {  	s2 =	sadd.s32 s2, s16  }
0x8e: {  	[smem:$0x3FB4] =	sst s2  }
0x8f: {  	_ = 	snop  }
0x90: {  	(tm) =	ssettm $0x1  }
0x91: {  	s17 =	sld [smem:$0x3FFB];
	_ =	sdelay $0x3  }
0x92: {  	_ =	strace s17  }
0x93: {  	s2 =	sld [smem:$0x3FFC];
	_ =	sdelay $0x3  }
0x94: {  	_ =	strace s2  }
0x95: {  	s2 =	sld [smem:$0x3FFD];
	_ =	sdelay $0x3  }
0x96: {  	_ =	strace s2  }
0x97: {  	_ =	strace $0x8FFFFFFF  }
0x98: {  	s18 =	sld [smem:$0x3FDB];
	_ =	sdelay $0x1  }
0x99: {  	s19 =	simm.s32 $_scs_section_size  }
0x9a: {  	s4 =	simm.s32 $_size__tile_overlayer_lowered;
	s5 =	simm.s32 $_tile_overlayer_lowered  }
0x9b: {  	s22 =	simm.s32 $0x1BFF;
	s21 =	sshll.u32 s5, $0x1;
	s2 =	sadd.s32 s19, s18  }
0x9c: {  	s6 =	simm.s32 $0x0;
	s20 =	sshll.u32 s4, $0x1;
	s4 =	sadd.s32 s21, s2  }
0x9d: {  	[timem:s6], [sflag:s22] =	dma.local [hbm:s4], s20  }
0x9e: {  	_ =	swait.ge [sflag:s22], s20  }
0x9f: {  	s3 =	ssub.s32 $0x0, s20;
	[sflag:s22] =	ssyncset.done $0x0  }
0xa0: {  	[sflag:s22] =	ssyncadd.s32 s3;
	_ =	sdelay $0x1  }
0xa1: {  	s23 =	simm.s32 $0x1B8B  }
0xa2: {  	_ =	swait.ge [sflag:s23], $0x1  }
0xa3: {  	[sflag:s23] =	ssyncset.done $0x0  }
0xa4: {  	s25 =	simm.s32 $0x1B8E;
	s24 =	sld [smem:$0x3FFE];
	[sflag:s23] =	ssyncadd.s32 $0xFFFFFFFF  }
0xa5: {  	s26 =	simm.s32 $execute0_lowered;
	[smem:$0x3FD2] =	sst s25  }
0xa6: {  	s4 =	sshll.u32 s26, $0x1;
	_ =	strace $0x8000004C;
	[dreg:$0x1] =	wrdreg $0xFFFFFFFF  }
0xa7: {  	s28 =	simm.s32 $_size_execute0_lowered;
	s2 =	sadd.s32 s2, s4;
	[dreg:$0x0] =	wrdreg $0x0  }
0xa8: {  	s4 =	sshll.u32 s28, $0x1;
	[dreg:$0x2] =	wrdreg s2  }
0xa9: {  	[dreg:$0x3] =	wrdreg s4  }
0xaa: {  	[dreg:$0x4] =	wrdreg $0xC0  }
0xab: {  	_ =	task [dreg:s6], $0x5FFFF  }
0xac: {  	[dreg:$0x1] =	wrdreg $0xFFFFFFFF  }
0xad: {  	[dreg:$0x0] =	wrdreg $0x60  }
0xae: {  	[dreg:$0x2] =	wrdreg s24  }
0xaf: {  	[dreg:$0x3] =	wrdreg $0x2A000  }
0xb0: {  	[dreg:$0x4] =	wrdreg $0x9  }
0xb1: {  	_ =	task.clear_ibuf [dreg:s6], $0x5FFFF;
	_ =	strace $0x9000004C  }
0xb2: {  	s29 =	simm.s32 $0x9;
	_ =	strace $0x8000004E  }
0xb3: {  	_ =	swait.ge [sflag:s29], $0x1  }
0xb4: {  	[sflag:s29] =	ssyncadd.s32 $0xFFFFFFFF  }
0xb5: {  	_ =	strace $0x9000004E  }
0xb6: {  	_ =	sfence  }
0xb7: {  	s30 =	sld [smem:$0x0];
	_ =	sdelay $0x2  }
0xb8: {  	s31 =	sshll.u32 s1, $0xD;
	s1 =	sshrl.u32 s1, $0x2  }
0xb9: {  	s3 =	sand.u32 $0x4000, s31;
	s1 =	sadd.s32 s1, s30  }
0xba: {  	s0 =	sor.u32 s3, s0;
	s1 =	sshll.u32 s1, $0x11  }
0xbb: {  	s0 =	sor.u32 s1, s0  }
0xbc: {  	s0 =	sadd.s32 $0x8F2B, s0  }
0xbd: {  	[sflag:s0] =	ssyncadd.remote.s32 $0x1  }
0xbe: {  	_ =	sfence.sel $0xFFFF  }
0xbf: {  	[dreg:$0x0] =	wrdreg $0xFFFFFFFF;
	(pc) =	sbr.abs _section_cstart, $3  }
0xc0: {  	[dreg:$0x1] =	wrdreg $0xFFFFFFFF  }
0xc1: {  	_ =	task.clear_ibuf [dreg:s6], $0x2FFFF;
	_ =	strace $0x9FFFFFFF  }
0xc2: {  	(tm) =	ssettm $0x7FFFFFFF  }
0xc3: {  	_ =	shalt  }
tec
execute0_lowered:
.L_overlay_start_1:
0x0: {  	(tag) =	ssettag $0x1  }
0x1: {  	s0 =	rddreg [dreg:$0x0];
	s1 =	srdreg.scid  }
0x2: {  	s2 =	rddreg [dreg:$0x1];
	s9 =	stileid.u32;
	s3 =	simm.s32 $0x0  }
0x3: {  	s28 =	simm.s32 $0x50;
	s29 =	simm.s32 $0x3;
	s6 =	smul.u32 $0x14000, s9  }
0x4: {  	s30 =	simm.s32 $0x2;
	s31 =	simm.s32 $0x0;
	s7 =	smul.u32 $0x6A, s9  }
0x5: {  	s1 =	sand.u32 $0x1, s1;
	[smem:$0x7FF] =	sst s3;
	s8 =	smul.u32 $0x92, s9  }
0x6: {  	s4 =	sadd.s32 $0xD800, s0;
	s19 =	sadd.s32 $0x5D800, s0;
	s21 =	smul.u32 $0x50000, s9  }
0x7: {  	s20 =	sadd.s32 $0x3A00, s0;
	s5 =	smul.u32 $0x140000, s1;
	_ =	strace $0x8000004D  }
0x8: {  	p0 =	seq.s32 s1, $0x0;
	s1 =	ssub.s32 $0x2, s1;
	s7 =	sadd.s32 $0x920, s7  }
0x9: {  	s18 =	sshrl.u32 s1, $0x1;
	s23 =	sshrl.u32 s21, $0x2;
	s21 =	simm.s32 $0x100  }
0xa: {  	s5 =	sadd.s32 s6, s5;
	s7 =	smov.u32 @p0 s8;
	s1 =	ssub.s32 s1, s18  }
0xb: {  	s9 =	sadd.s32 s23, s2;
	s23 =	simm.s32 $0x4;
	s5 =	sshrl.u32 s5, $0x3  }
0xc: {  	s17 =	smul.u32 $0x50, s7;
	s24 =	smax.u32 s1, $0x1;
	s12 =	sadd.s32 $0x2800, s9  }
0xd: {  	s13 =	sadd.s32 $0x5000, s9;
	s14 =	sadd.s32 $0x7800, s9;
	s25 =	smul.u32 $0xA, s7  }
0xe: {  	s15 =	sadd.s32 $0xA000, s9;
	s16 =	sadd.s32 $0xC800, s9;
	s18 =	sadd.s32 $0x11800, s9  }
0xf: {  	s0 =	sadd.s32 s5, s0;
	s5 =	simm.s32 $0x49;
	[dreg:$0x6] =	wrdreg s24  }
0x10: {  	s24 =	simm.s32 $0x80;
	s6 =	sshrl.u32 s17, $0x3;
	s5 =	simm.s32 @!p0 $0x35  }
0x11: {  	s0 =	sadd.s32 $0x67600, s0;
	s17 =	sadd.s32 $0xF000, s9;
	s26 =	sadd.s32 s25, s20  }
0x12: {  	s22 =	sadd.s32 s19, s6;
	s6 =	sadd.s32 s20, s6;
	s8 =	sadd.s32 $0xFFFFFFFF, s5  }
0x13: {  	[dreg:$0x5] =	wrdreg s0;
	s0 =	sadd.s32 s25, s19;
	s1 =	sadd.s32 $0x14, s26  }
0x14: {  	s25 =	simm.s32 $0x180;
	s26 =	simm.s32 $0x1;
	[dreg:$0x3] =	wrdreg s22  }
0x15: {  	v0 =	vimm.f32 $0.0e+00;
	[dreg:$0x4] =	wrdreg s6;
	s6 =	sadd.s32 $0x14, s0;
	s22 =	simm.s32 $0x200  }
.LBB2_1:
0x16: {  	s0 =	rddreg [dreg:$0x3]  }
0x17: {  	[tilespmem:s3], [sflag:$0x1] =	stream.linear.gather [hbm4b:s0+s3], $0x50, $0x38;
	[tilespmem:$0x16A00] =	vst v63  }
0x18: {  	s20 =	rddreg [dreg:$0x4];
	s7 =	simm.s32 $0x3C0;
	s0 =	simm.s32 $0x70  }
0x19: {  	[tilespmem:s21], [sflag:$0x1] =	stream.linear.gather [hbm4b:s20+s3], $0x50, $0x38;
	[tilespmem:$0x16A00] =	vst v63  }
.LBB2_2:
0x1a: {  	p0 =	sne.s32 s7, $0x9FC0;
	[tilespmem:s0+$0x200] =	vst v0  }
0x1b: {  	[tilespmem:s0+$0x190] =	vst v0  }
0x1c: {  	[tilespmem:s0+$0x1A0] =	vst v0  }
.Ltmp0:
0x1d: {  	[tilespmem:s0+$0x1B0] =	vst v0;
	(pc) =	sbr.rel @p0 .LBB2_2-.Ltmp0, $4  }
0x1e: {  	[tilespmem:s0+$0x1C0] =	vst v0  }
0x1f: {  	[tilespmem:s0+$0x1D0] =	vst v0  }
0x20: {  	[tilespmem:s0+$0x1E0] =	vst v0  }
0x21: {  	[tilespmem:s0+$0x1F0] =	vst v0;
	s0 =	sshra.s32 s7, $0x2;
	s7 =	sadd.s32 $0x200, s7  }
0x22: {  	[tilespmem:s0+$0x200] =	vst v0  }
0x23: {  	[tilespmem:s0+$0x190] =	vst v0  }
0x24: {  	[tilespmem:s0+$0x1A0] =	vst v0  }
0x25: {  	[tilespmem:s0+$0x1B0] =	vst v0  }
0x26: {  	[tilespmem:s0+$0x1C0] =	vst v0  }
0x27: {  	[tilespmem:s0+$0x1D0] =	vst v0  }
0x28: {  	[tilespmem:s0+$0x1E0] =	vst v0  }
0x29: {  	[tilespmem:s0+$0x1F0] =	vst v0  }
0x2a: {  	[spmem:s9] =	stream.linear.scatter [tilespmem:s22], [sflag:$0x4], $0x2800, $0x38;
	[tilespmem:$0x16A00] =	vst v63  }
0x2b: {  	_ =	swait.ge [sflag:s23], $0x2800  }
0x2c: {  	[sflag:s23] =	ssyncset.done $0x0  }
0x2d: {  	[sflag:s23] =	ssyncadd.s32 $0xFFFFD800  }
0x2e: {  	[spmem:s12] =	stream.linear.scatter [tilespmem:s22], [sflag:$0x4], $0x2800, $0x38;
	[tilespmem:$0x16A00] =	vst v63  }
0x2f: {  	_ =	swait.ge [sflag:s23], $0x2800  }
0x30: {  	[sflag:s23] =	ssyncset.done $0x0  }
0x31: {  	[sflag:s23] =	ssyncadd.s32 $0xFFFFD800  }
0x32: {  	[spmem:s13] =	stream.linear.scatter [tilespmem:s22], [sflag:$0x4], $0x2800, $0x38;
	[tilespmem:$0x16A00] =	vst v63  }
0x33: {  	_ =	swait.ge [sflag:s23], $0x2800  }
0x34: {  	[sflag:s23] =	ssyncset.done $0x0  }
0x35: {  	[sflag:s23] =	ssyncadd.s32 $0xFFFFD800  }
0x36: {  	[spmem:s14] =	stream.linear.scatter [tilespmem:s22], [sflag:$0x4], $0x2800, $0x38;
	[tilespmem:$0x16A00] =	vst v63  }
0x37: {  	_ =	swait.ge [sflag:s23], $0x2800  }
0x38: {  	[sflag:s23] =	ssyncset.done $0x0  }
0x39: {  	[sflag:s23] =	ssyncadd.s32 $0xFFFFD800  }
0x3a: {  	[spmem:s15] =	stream.linear.scatter [tilespmem:s22], [sflag:$0x4], $0x2800, $0x38;
	[tilespmem:$0x16A00] =	vst v63  }
0x3b: {  	_ =	swait.ge [sflag:s23], $0x2800  }
0x3c: {  	[sflag:s23] =	ssyncset.done $0x0  }
0x3d: {  	[sflag:s23] =	ssyncadd.s32 $0xFFFFD800  }
0x3e: {  	[spmem:s16] =	stream.linear.scatter [tilespmem:s22], [sflag:$0x4], $0x2800, $0x38;
	[tilespmem:$0x16A00] =	vst v63  }
0x3f: {  	_ =	swait.ge [sflag:s23], $0x2800  }
0x40: {  	[sflag:s23] =	ssyncset.done $0x0  }
0x41: {  	[sflag:s23] =	ssyncadd.s32 $0xFFFFD800  }
0x42: {  	[spmem:s17] =	stream.linear.scatter [tilespmem:s22], [sflag:$0x4], $0x2800, $0x38;
	[tilespmem:$0x16A00] =	vst v63  }
0x43: {  	_ =	swait.ge [sflag:s23], $0x2800  }
0x44: {  	[sflag:s23] =	ssyncset.done $0x0  }
0x45: {  	p1 =	sne.s32 s5, $0x1;
	[sflag:s23] =	ssyncadd.s32 $0xFFFFD800  }
0x46: {  	[spmem:s18] =	stream.linear.scatter [tilespmem:s22], [sflag:$0x4], $0x2800, $0x38;
	[tilespmem:$0x16A00] =	vst v63  }
.Ltmp1:
0x47: {  	_ =	swait.ge [sflag:s23], $0x2800;
	(pc) =	sbr.rel @!p1 .LBB2_8-.Ltmp1, $4  }
0x48: {  	[sflag:s23] =	ssyncset.done $0x0  }
0x49: {  	[sflag:s23] =	ssyncadd.s32 $0xFFFFD800  }
0x4a: {  	s7 =	simm.s32 $0x0;
	s0 =	simm.s32 $0x1;
	[bflag:$0x0] =	sbarrier.arrive $0xFFFF  }
0x4b: {  	p0 =	por $0x0, $0x0;
	s20 =	smov.u32 s6;
	s19 =	smov.u32 s1  }
0x4c: {  	s7 =	sadd.s32 $0xFFFFFFF6, s6  }
0x4d: {  	[tilespmem:s24], [sflag:$0x2] =	stream.linear.gather [hbm4b:s7+s3], $0x50, $0x38;
	[tilespmem:$0x16A00] =	vst v63  }
0x4e: {  	s20 =	sadd.s32 $0xFFFFFFF6, s1  }
0x4f: {  	[tilespmem:s25], [sflag:$0x2] =	stream.linear.gather [hbm4b:s20+s3], $0x50, $0x38;
	[tilespmem:$0x16A00] =	vst v63  }
0x50: {  	_ =	swait.ge [sflag:s26], $0x50  }
0x51: {  	[sflag:s26] =	ssyncset.done $0x0  }
0x52: {  	[sflag:s26] =	ssyncadd.s32 $0xFFFFFFB0  }
0x53: {  	_ =	swait.ge [sflag:s26], $0x50  }
0x54: {  	[sflag:s26] =	ssyncset.done $0x0  }
0x55: {  	[sflag:s26] =	ssyncadd.s32 $0xFFFFFFB0  }
0x56: {  	[tilespmem:s22], [sflag:$0x3] =	stream.indirect.gather [hbm4b:s4+s28], $0x80, s3, s28, $0xb8;
	[tilespmem:$0x16A00] =	vst v63  }
0x57: {  	_ =	swait.ge [sflag:s29], $0x2800  }
0x58: {  	[sflag:s29] =	ssyncset.done $0x0  }
0x59: {  	[sflag:s29] =	ssyncadd.s32 $0xFFFFD800  }
0x5a: {  	[spmem:s2] =	stream.indirect.scatter.add.f32 [tilespmem:s22], [sflag:$0x4], $0x80, s21, s28, $0xb8;
	[tilespmem:$0x16A00] =	vst v63  }
0x5b: {  	_ =	swait.ge [sflag:s23], $0x2800  }
0x5c: {  	p0 =	sle.u32 s8, $0x0;
	[sflag:s23] =	ssyncset.done $0x0  }
0x5d: {  	s7 =	simm.s32 @!p0 $0x0;
	[sflag:s23] =	ssyncadd.s32 $0xFFFFD800  }
0x5e: {  	[tilespmem:s7], [sflag:$0x1] =	stream.linear.gather @!p0 [hbm4b:s6+s7], $0x50, $0x38;
	[tilespmem:$0x16A00] =	vst v63  }
0x5f: {  	s19 =	simm.s32 @!p0 $0x100  }
0x60: {  	[tilespmem:s19], [sflag:$0x1] =	stream.linear.gather @!p0 [hbm4b:s1+s7], $0x50, $0x38;
	[tilespmem:$0x16A00] =	vst v63  }
0x61: {  	_ =	swait.ge [sflag:s30], $0x50  }
0x62: {  	[sflag:s30] =	ssyncset.done $0x0  }
0x63: {  	[sflag:s30] =	ssyncadd.s32 $0xFFFFFFB0  }
0x64: {  	_ =	swait.ge [sflag:s30], $0x50  }
0x65: {  	[sflag:s30] =	ssyncset.done $0x0  }
0x66: {  	[sflag:s30] =	ssyncadd.s32 $0xFFFFFFB0  }
0x67: {  	[tilespmem:s22], [sflag:$0x3] =	stream.indirect.gather [hbm4b:s4+s28], $0x80, s24, s28, $0xb8;
	[tilespmem:$0x16A00] =	vst v63  }
0x68: {  	p1 =	sne.s32 s5, $0x2;
	_ =	swait.ge [sflag:s29], $0x2800  }
.Ltmp2:
0x69: {  	[sflag:s29] =	ssyncset.done $0x0;
	(pc) =	sbr.rel @!p1 .LBB2_5-.Ltmp2, $4  }
0x6a: {  	[sflag:s29] =	ssyncadd.s32 $0xFFFFD800  }
0x6b: {  	[spmem:s2] =	stream.indirect.scatter.add.f32 [tilespmem:s22], [sflag:$0x4], $0x80, s25, s28, $0xb8;
	[tilespmem:$0x16A00] =	vst v63  }
0x6c: {  	s20 =	sadd.s32 $0x14, s6;
	s7 =	simm.s32 $0x2;
	_ =	swait.ge [sflag:s23], $0x2800  }
0x6d: {  	s19 =	sadd.s32 $0x14, s1;
	p0 =	por $0x1, $0x1;
	[sflag:s23] =	ssyncset.done $0x0  }
.LBB2_6:
0x6e: {  	s10 =	sadd.s32 $0xFFFFFFF6, s20  }
0x6f: {  	[sflag:s23] =	ssyncadd.s32 $0xFFFFD800;
	s11 =	smov.u32 s7;
	s7 =	sadd.s32 $0x1, s7  }
0x70: {  	[tilespmem:s24], [sflag:$0x2] =	stream.linear.gather [hbm4b:s10+s3], $0x50, $0x38;
	[tilespmem:$0x16A00] =	vst v63  }
0x71: {  	p1 =	sne.s32 s5, s7;
	s10 =	sadd.s32 $0xFFFFFFF6, s19  }
0x72: {  	[tilespmem:s25], [sflag:$0x2] =	stream.linear.gather [hbm4b:s10+s3], $0x50, $0x38;
	[tilespmem:$0x16A00] =	vst v63  }
0x73: {  	_ =	swait.ge [sflag:s26], $0x50  }
0x74: {  	[sflag:s26] =	ssyncset.done $0x0  }
0x75: {  	[sflag:s26] =	ssyncadd.s32 $0xFFFFFFB0  }
0x76: {  	_ =	swait.ge [sflag:s26], $0x50  }
0x77: {  	[sflag:s26] =	ssyncset.done $0x0  }
0x78: {  	[sflag:s26] =	ssyncadd.s32 $0xFFFFFFB0  }
0x79: {  	[tilespmem:s22], [sflag:$0x3] =	stream.indirect.gather [hbm4b:s4+s28], $0x80, s3, s28, $0xb8;
	[tilespmem:$0x16A00] =	vst v63  }
0x7a: {  	_ =	swait.ge [sflag:s29], $0x2800  }
0x7b: {  	[sflag:s29] =	ssyncset.done $0x0  }
0x7c: {  	[sflag:s29] =	ssyncadd.s32 $0xFFFFD800  }
0x7d: {  	[spmem:s2] =	stream.indirect.scatter.add.f32 [tilespmem:s22], [sflag:$0x4], $0x80, s21, s28, $0xb8;
	[tilespmem:$0x16A00] =	vst v63  }
0x7e: {  	_ =	swait.ge [sflag:s23], $0x2800  }
0x7f: {  	p2 =	sge.u32 s0, s8;
	s0 =	smov.u32 s11;
	[sflag:s23] =	ssyncset.done $0x0  }
0x80: {  	s10 =	simm.s32 @!p2 $0x0;
	[sflag:s23] =	ssyncadd.s32 $0xFFFFD800  }
0x81: {  	[tilespmem:s10], [sflag:$0x1] =	stream.linear.gather @!p2 [hbm4b:s20+s10], $0x50, $0x38;
	[tilespmem:$0x16A00] =	vst v63  }
0x82: {  	s11 =	simm.s32 @!p2 $0x100  }
0x83: {  	[tilespmem:s11], [sflag:$0x1] =	stream.linear.gather @!p2 [hbm4b:s19+s10], $0x50, $0x38;
	[tilespmem:$0x16A00] =	vst v63  }
0x84: {  	_ =	swait.ge [sflag:s30], $0x50  }
0x85: {  	[sflag:s30] =	ssyncset.done $0x0  }
0x86: {  	[sflag:s30] =	ssyncadd.s32 $0xFFFFFFB0  }
0x87: {  	_ =	swait.ge [sflag:s30], $0x50  }
0x88: {  	[sflag:s30] =	ssyncset.done $0x0  }
0x89: {  	[sflag:s30] =	ssyncadd.s32 $0xFFFFFFB0  }
0x8a: {  	[tilespmem:s22], [sflag:$0x3] =	stream.indirect.gather [hbm4b:s4+s28], $0x80, s24, s28, $0xb8;
	[tilespmem:$0x16A00] =	vst v63  }
0x8b: {  	_ =	swait.ge [sflag:s29], $0x2800  }
.Ltmp3:
0x8c: {  	[sflag:s29] =	ssyncset.done $0x0;
	(pc) =	sbr.rel @p1 .LBB2_6-.Ltmp3, $4  }
0x8d: {  	[sflag:s29] =	ssyncadd.s32 $0xFFFFD800  }
0x8e: {  	[spmem:s2] =	stream.indirect.scatter.add.f32 [tilespmem:s22], [sflag:$0x4], $0x80, s25, s28, $0xb8;
	[tilespmem:$0x16A00] =	vst v63  }
0x8f: {  	_ =	swait.ge [sflag:s23], $0x2800  }
0x90: {  	s20 =	sadd.s32 $0x14, s20;
	s19 =	sadd.s32 $0x14, s19;
	[sflag:s23] =	ssyncset.done $0x0  }
0x91: {  	s7 =	smov.u32 s0  }
.LBB2_8:
0x92: {  	s0 =	sadd.s32 $0xFFFFFFF6, s20;
	[sflag:s23] =	ssyncadd.s32 @p0 $0xFFFFD800  }
0x93: {  	[tilespmem:s24], [sflag:$0x2] =	stream.linear.gather [hbm4b:s0+s3], $0x50, $0x38;
	[tilespmem:$0x16A00] =	vst v63  }
0x94: {  	s10 =	sadd.s32 $0xFFFFFFF6, s19  }
0x95: {  	[tilespmem:s25], [sflag:$0x2] =	stream.linear.gather [hbm4b:s10+s3], $0x50, $0x38;
	[tilespmem:$0x16A00] =	vst v63  }
0x96: {  	_ =	swait.ge [sflag:s26], $0x50  }
0x97: {  	[sflag:s26] =	ssyncset.done $0x0  }
0x98: {  	[sflag:s26] =	ssyncadd.s32 $0xFFFFFFB0  }
0x99: {  	_ =	swait.ge [sflag:s26], $0x50  }
0x9a: {  	[sflag:s26] =	ssyncset.done $0x0  }
0x9b: {  	[sflag:s26] =	ssyncadd.s32 $0xFFFFFFB0  }
0x9c: {  	[tilespmem:s22], [sflag:$0x3] =	stream.indirect.gather [hbm4b:s4+s28], $0x80, s3, s28, $0xb8;
	[tilespmem:$0x16A00] =	vst v63  }
0x9d: {  	_ =	swait.ge [sflag:s29], $0x2800  }
0x9e: {  	[sflag:s29] =	ssyncset.done $0x0  }
0x9f: {  	[sflag:s29] =	ssyncadd.s32 $0xFFFFD800  }
0xa0: {  	[spmem:s2] =	stream.indirect.scatter.add.f32 [tilespmem:s22], [sflag:$0x4], $0x80, s21, s28, $0xb8;
	[tilespmem:$0x16A00] =	vst v63  }
0xa1: {  	_ =	swait.ge [sflag:s23], $0x2800  }
0xa2: {  	p0 =	sge.u32 s7, s8;
	[sflag:s23] =	ssyncset.done $0x0  }
0xa3: {  	s0 =	simm.s32 @!p0 $0x0;
	[sflag:s23] =	ssyncadd.s32 $0xFFFFD800  }
0xa4: {  	[tilespmem:s0], [sflag:$0x1] =	stream.linear.gather @!p0 [hbm4b:s20+s0], $0x50, $0x38;
	[tilespmem:$0x16A00] =	vst v63  }
0xa5: {  	s7 =	simm.s32 @!p0 $0x100  }
0xa6: {  	[tilespmem:s7], [sflag:$0x1] =	stream.linear.gather @!p0 [hbm4b:s19+s0], $0x50, $0x38;
	[tilespmem:$0x16A00] =	vst v63  }
0xa7: {  	_ =	swait.ge [sflag:s30], $0x50  }
0xa8: {  	[sflag:s30] =	ssyncset.done $0x0  }
0xa9: {  	[sflag:s30] =	ssyncadd.s32 $0xFFFFFFB0  }
0xaa: {  	_ =	swait.ge [sflag:s30], $0x50  }
0xab: {  	[sflag:s30] =	ssyncset.done $0x0  }
0xac: {  	[sflag:s30] =	ssyncadd.s32 $0xFFFFFFB0  }
0xad: {  	[tilespmem:s22], [sflag:$0x3] =	stream.indirect.gather [hbm4b:s4+s28], $0x80, s24, s28, $0xb8;
	[tilespmem:$0x16A00] =	vst v63  }
0xae: {  	_ =	swait.ge [sflag:s29], $0x2800  }
0xaf: {  	[sflag:s29] =	ssyncset.done $0x0  }
0xb0: {  	[sflag:s29] =	ssyncadd.s32 $0xFFFFD800  }
0xb1: {  	[spmem:s2] =	stream.indirect.scatter.add.f32 [tilespmem:s22], [sflag:$0x4], $0x80, s25, s28, $0xb8;
	[tilespmem:$0x16A00] =	vst v63  }
0xb2: {  	_ =	swait.ge [sflag:s23], $0x2800  }
0xb3: {  	[sflag:s23] =	ssyncset.done $0x0  }
0xb4: {  	s11 =	stileid.u32;
	[sflag:s23] =	ssyncadd.s32 $0xFFFFD800  }
0xb5: {  	s0 =	sshll.u32 s11, $0x6;
	[bflag:$0x0] =	sbarrier.arrive $0xFFFF  }
0xb6: {  	s19 =	sshrl.u32 s9, $0x3;
	s0 =	sor.u32 $0x1C04, s0;
	s10 =	rddreg [dreg:$0x5]  }
0xb7: {  	[hbm:s10], [sflag:s0] =	dma.local [spmem:s19], $0x2800  }
0xb8: {  	_ =	swait.ge [sflag:s23], $0x2800  }
0xb9: {  	s31 =	sadd.s32 $0x1, s31;
	s20 =	rddreg [dreg:$0x6]  }
0xba: {  	p0 =	sne.s32 s31, s20  }
.Ltmp4:
0xbb: {  	_ = 	snop;
	(pc) =	sbr.rel @p0 .LBB2_1-.Ltmp4, $4  }
.Ltmp5:
0xbc: {  	_ = 	snop;
	(pc) =	sbr.rel @!p0 .LBB2_9-.Ltmp5, $4  }
0xbd: {  	_ = 	snop  }
0xbe: {  	[sflag:s23] =	ssyncset.done $0x0  }
0xbf: {  	[sflag:s23] =	ssyncadd.s32 $0xFFFFD800  }
0xc0: {  	_ = 	snop  }
.LBB2_5:
.Ltmp6:
0xc1: {  	(pc) =	sbr.rel .LBB2_8-.Ltmp6, $2  }
0xc2: {  	_ =	sdelay $0x2  }
0xc3: {  	s7 =	simm.s32 $0x1  }
.LBB2_9:
0xc4: {  	_ =	sfence.sel $0x180000  }
0xc5: {  	[bflag:$0x0] =	sbarrier.arrive $0xFFFF  }
0xc6: {  	_ =	strace $0x9000004D  }
0xc7: {  	s0 =	stileid.u32;
	[bflag:$0x2] =	sbarrier.arrive $0xFFFF  }
0xc8: {  	p0 =	sne.s32 s0, $0x0;
	s0 =	rddreg [dreg:$0x2]  }
0xc9: {  	s0 =	sadd.s32 @!p0 $0x100000, s0  }
0xca: {  	[sflag:s0] =	ssyncadd.tile.s32 @!p0 $0x1;
	_ =	shalt  }
.Lfunc_end2:
_tile_overlayer_lowered:
.L_overlay_start_2:
0xcb: {  	(tag) =	ssettag $0x2  }
0xcc: {  	s0 =	rddreg [dreg:$0x0];
	s2 =	stileid.u32  }
0xcd: {  	s1 =	rddreg [dreg:$0x1];
	p0 =	sne.s32 s2, $0x0  }
0xce: {  	s3 =	rddreg [dreg:$0x2];
	[bflag:$0x3] =	sbarrier.arrive $0xFFFF;
	s2 =	simm.s32 @!p0 $0x1C04  }
0xcf: {  	[timem:s3], [sflag:s2] =	dma.local @!p0 [hbm:s0], s1  }
0xd0: {  	s0 =	simm.s32 @!p0 $0x4  }
0xd1: {  	_ =	swait.ge @!p0 [sflag:s0], s1  }
0xd2: {  	s1 =	ssub.s32 @!p0 $0x0, s1;
	[sflag:s0] =	ssyncset.done @!p0 $0x0  }
0xd3: {  	[sflag:s0] =	ssyncadd.s32 @!p0 s1  }
0xd4: {  	[bflag:$0x3] =	sbarrier.arrive $0xFFFF  }
0xd5: {  	_ =	shalt  }

// kernel: kernel.8.cloned.1.call-start
scs
__scs_entry_jumppad:
0x0: {  	(pc) =	sbr.rel $0x88, $3  }
0x1: {  	(tag) =	ssettag $0x0;
	lr =	simm.s32 $0x1  }
0x2: {  	[smem:$0x3F8D] =	sst lr;
	_ =	strace $0xD0000000  }
0x3: {  	_ = 	snop  }
0x4: {  	_ = 	snop  }
0x5: {  	_ = 	snop  }
0x6: {  	_ = 	snop  }
0x7: {  	_ = 	snop  }
__scs_overlays_trampoline_lowered:
0x8: {  	[smem:$0x3F9C] =	sst s0  }
0x9: {  	[smem:$0x3F9D] =	sst s1  }
0xa: {  	[smem:$0x3F9E] =	sst s2  }
0xb: {  	[smem:$0x3F9F] =	sst s3  }
0xc: {  	[smem:$0x3FA0] =	sst s4  }
0xd: {  	[smem:$0x3FA1] =	sst s5  }
0xe: {  	[smem:$0x3FA2] =	sst s6  }
0xf: {  	[smem:$0x3FA3] =	sst s7  }
0x10: {  	[smem:$0x3FA4] =	sst s8  }
0x11: {  	[smem:$0x3FA5] =	sst s9;
	s0 =	simm.s32 @!p0 $0x0  }
0x12: {  	s1 =	sld [smem:$0x3F8B];
	s0 =	simm.s32 @p0 $0x1  }
0x13: {  	[smem:$0x3FA6] =	sst s0;
	s0 =	simm.s32 @!p1 $0x0  }
0x14: {  	s2 =	sld [smem:$0x3F8A];
	s0 =	simm.s32 @p1 $0x1  }
0x15: {  	[smem:$0x3FA7] =	sst s0;
	s0 =	simm.s32 @!p2 $0x0  }
0x16: {  	s3 =	sld [smem:$0x3FDB];
	s0 =	simm.s32 @p2 $0x1  }
0x17: {  	s4 =	simm.s32 $0x1BF5;
	[smem:$0x3FA9] =	sst s0  }
0x18: {  	s0 =	sld [smem:$0x3F8C];
	_ =	swait.ge [sflag:s4], $0x0  }
0x19: {  	s7 =	sld [smem:$0x3F8D]  }
0x1a: {  	s8 =	sadd.s32 $0xFFFFE003, lr  }
0x1b: {  	s9 =	sadd.s32 $0xFFFFFEF7, lr;
	s5 =	simm.s32 $0xFFFFFFFF;
	p2 =	slt.u32 s8, $0xFFFFF086  }
0x1c: {  	p1 =	slt.u32 s9, $0xF7A;
	s5 =	simm.s32 @!p2 $0x0  }
0x1d: {  	s5 =	simm.s32 @p1 $0x1;
	p0 =	seq.s32 s7, s2  }
0x1e: {  	s7 =	smul.u32 @!p0 $0xF7A, s2;
	p2 =	seq.s32 @!p0 s5, $0x0  }
0x1f: {  	s9 =	smul.u32 $0xF7A, s1;
	s8 =	simm.s32 @!p0 $0x1BF5;
	p2 =	por !p2, p0  }
0x20: {  	[sflag:s8] =	ssyncset.s32 @!p0 $0xFFFFF086;
	s6 =	sadd.s32 @!p0 s3, s7;
	s7 =	simm.s32 @!p0 $0x108  }
0x21: {  	s3 =	sadd.s32 s3, s9;
	s6 =	sadd.s32 @!p0 $0x88, s6;
	s7 =	simm.s32 @p2 $0x1082  }
0x22: {  	[simem:s7], [sflag:s8] =	dma.local @!p0 [hbm:s6], $0xF7A  }
0x23: {  	s9 =	sor.u32 $0xD0000000, s2;
	s6 =	simm.s32 $0x108;
	_ =	swait.ge @!p0 [sflag:s8], $0x0  }
0x24: {  	s3 =	sadd.s32 $0x88, s3;
	s6 =	simm.s32 @!p1 $0x1082;
	[sflag:s4] =	ssyncset.s32 $0xFFFFF086  }
0x25: {  	[simem:s6], [sflag:s4] =	dma.local [hbm:s3], $0xF7A  }
0x26: {  	[smem:$0x3F8D] =	sst s1;
	(tag) =	ssettag s2;
	_ =	strace s9  }
0x27: {  	s1 =	sld [smem:$0x3F9D]  }
0x28: {  	s2 =	sld [smem:$0x3F9E]  }
0x29: {  	s4 =	sld [smem:$0x3FA0]  }
0x2a: {  	p0 =	seq.s32 s5, $0x0;
	s5 =	sld [smem:$0x3FA1]  }
0x2b: {  	s6 =	sld [smem:$0x3FA2]  }
0x2c: {  	s7 =	sld [smem:$0x3FA3]  }
0x2d: {  	s3 =	simm.s32 $0x108;
	s8 =	sld [smem:$0x3FA4]  }
0x2e: {  	s3 =	simm.s32 @!p0 $0x1082;
	s9 =	sld [smem:$0x3FA5]  }
0x2f: {  	lr =	sadd.s32 s0, s3;
	s0 =	sld [smem:$0x3F9C]  }
0x30: {  	s3 =	sld [smem:$0x3F9F]  }
0x31: {  	[smem:$0x3FA8] =	sst s10  }
0x32: {  	s10 =	sld [smem:$0x3FA6];
	_ =	sdelay $0x3  }
0x33: {  	p0 =	seq.s32 s10, $0x1;
	s10 =	sld [smem:$0x3FA8];
	_ =	sdelay $0x3  }
0x34: {  	[smem:$0x3FA8] =	sst s10  }
0x35: {  	s10 =	sld [smem:$0x3FA7];
	_ =	sdelay $0x3  }
0x36: {  	p1 =	seq.s32 s10, $0x1;
	s10 =	sld [smem:$0x3FA8];
	_ =	sdelay $0x3  }
0x37: {  	[smem:$0x3FA8] =	sst s10  }
0x38: {  	s10 =	sld [smem:$0x3FA9]  }
0x39: {  	_ = 	snop;
	(pc) =	sbr.ind lr, $3  }
0x3a: {  	_ = 	snop  }
0x3b: {  	_ = 	snop  }
0x3c: {  	p2 =	seq.s32 s10, $0x1;
	s10 =	sld [smem:$0x3FA8]  }
0x3d: {  	_ =	shalt  }
0x3e: {  	_ =	shalt  }
0x3f: {  	_ =	shalt  }
0x40: {  	_ =	shalt  }
0x41: {  	_ =	shalt  }
0x42: {  	_ =	shalt  }
0x43: {  	_ =	shalt  }
0x44: {  	_ =	shalt  }
0x45: {  	_ =	shalt  }
0x46: {  	_ =	shalt  }
0x47: {  	_ =	shalt  }
0x48: {  	_ =	shalt  }
0x49: {  	_ =	shalt  }
0x4a: {  	_ =	shalt  }
0x4b: {  	_ =	shalt  }
0x4c: {  	_ =	shalt  }
0x4d: {  	_ =	shalt  }
0x4e: {  	_ =	shalt  }
0x4f: {  	_ =	shalt  }
0x50: {  	_ =	shalt  }
0x51: {  	_ =	shalt  }
0x52: {  	_ =	shalt  }
0x53: {  	_ =	shalt  }
0x54: {  	_ =	shalt  }
0x55: {  	_ =	shalt  }
0x56: {  	_ =	shalt  }
0x57: {  	_ =	shalt  }
0x58: {  	_ =	shalt  }
0x59: {  	_ =	shalt  }
0x5a: {  	_ =	shalt  }
0x5b: {  	_ =	shalt  }
0x5c: {  	_ =	shalt  }
0x5d: {  	_ =	shalt  }
0x5e: {  	_ =	shalt  }
0x5f: {  	_ =	shalt  }
0x60: {  	_ =	shalt  }
0x61: {  	_ =	shalt  }
0x62: {  	_ =	shalt  }
0x63: {  	_ =	shalt  }
0x64: {  	_ =	shalt  }
0x65: {  	_ =	shalt  }
0x66: {  	_ =	shalt  }
0x67: {  	_ =	shalt  }
0x68: {  	_ =	shalt  }
0x69: {  	_ =	shalt  }
0x6a: {  	_ =	shalt  }
0x6b: {  	_ =	shalt  }
0x6c: {  	_ =	shalt  }
0x6d: {  	_ =	shalt  }
0x6e: {  	_ =	shalt  }
0x6f: {  	_ =	shalt  }
0x70: {  	_ =	shalt  }
0x71: {  	_ =	shalt  }
0x72: {  	_ =	shalt  }
0x73: {  	_ =	shalt  }
0x74: {  	_ =	shalt  }
0x75: {  	_ =	shalt  }
0x76: {  	_ =	shalt  }
0x77: {  	_ =	shalt  }
0x78: {  	_ =	shalt  }
0x79: {  	_ =	shalt  }
0x7a: {  	_ =	shalt  }
0x7b: {  	_ =	shalt  }
0x7c: {  	_ =	shalt  }
0x7d: {  	_ =	shalt  }
0x7e: {  	_ =	shalt  }
0x7f: {  	_ =	shalt  }
0x80: {  	_ =	shalt  }
0x81: {  	_ =	shalt  }
0x82: {  	_ =	shalt  }
0x83: {  	_ =	shalt  }
0x84: {  	_ =	shalt  }
0x85: {  	_ =	shalt  }
0x86: {  	_ =	shalt  }
0x87: {  	_ =	shalt  }
.Lfunc_end0:
.L_simem_size_0:
called_computation_lowered:
.L_overlay_start_0:
0x88: {  	s2 =	sld [smem:$0x3FD9]  }
0x89: {  	s3 =	sld [smem:$0x3FFE];
	_ =	sdelay $0x1  }
0x8a: {  	s1 =	srdreg.scid  }
0x8b: {  	s0 =	sand.u32 $0x1, s1  }
0x8c: {  	s16 =	sshll.u32 s0, $0xA;
	s2 =	sadd.s32 s3, s2  }
0x8d: {  	s2 =	sadd.s32 s2, s16  }
0x8e: {  	[smem:$0x3FB4] =	sst s2  }
0x8f: {  	_ = 	snop  }
0x90: {  	(tm) =	ssettm $0x1  }
0x91: {  	s17 =	sld [smem:$0x3FFB];
	_ =	sdelay $0x3  }
0x92: {  	_ =	strace s17  }
0x93: {  	s2 =	sld [smem:$0x3FFC];
	_ =	sdelay $0x3  }
0x94: {  	_ =	strace s2  }
0x95: {  	s2 =	sld [smem:$0x3FFD];
	_ =	sdelay $0x3  }
0x96: {  	_ =	strace s2  }
0x97: {  	_ =	strace $0x8FFFFFFF  }
0x98: {  	s18 =	sld [smem:$0x3FDB];
	_ =	sdelay $0x1  }
0x99: {  	s19 =	simm.s32 $_scs_section_size  }
0x9a: {  	s4 =	simm.s32 $_size__tile_overlayer_lowered;
	s5 =	simm.s32 $_tile_overlayer_lowered  }
0x9b: {  	s22 =	simm.s32 $0x1BFF;
	s21 =	sshll.u32 s5, $0x1;
	s2 =	sadd.s32 s19, s18  }
0x9c: {  	s6 =	simm.s32 $0x0;
	s20 =	sshll.u32 s4, $0x1;
	s4 =	sadd.s32 s21, s2  }
0x9d: {  	[timem:s6], [sflag:s22] =	dma.local [hbm:s4], s20  }
0x9e: {  	_ =	swait.ge [sflag:s22], s20  }
0x9f: {  	s3 =	ssub.s32 $0x0, s20;
	[sflag:s22] =	ssyncset.done $0x0  }
0xa0: {  	[sflag:s22] =	ssyncadd.s32 s3;
	_ =	sdelay $0x1  }
0xa1: {  	s23 =	simm.s32 $0x1B8B  }
0xa2: {  	_ =	swait.ge [sflag:s23], $0x1  }
0xa3: {  	[sflag:s23] =	ssyncset.done $0x0  }
0xa4: {  	s25 =	simm.s32 $0x1B8E;
	s24 =	sld [smem:$0x3FFE];
	[sflag:s23] =	ssyncadd.s32 $0xFFFFFFFF  }
0xa5: {  	s26 =	simm.s32 $execute0_lowered;
	[smem:$0x3FD2] =	sst s25  }
0xa6: {  	s4 =	sshll.u32 s26, $0x1;
	_ =	strace $0x80000046;
	[dreg:$0x1] =	wrdreg $0xFFFFFFFF  }
0xa7: {  	s28 =	simm.s32 $_size_execute0_lowered;
	s2 =	sadd.s32 s2, s4;
	[dreg:$0x0] =	wrdreg $0x0  }
0xa8: {  	s4 =	sshll.u32 s28, $0x1;
	[dreg:$0x2] =	wrdreg s2  }
0xa9: {  	[dreg:$0x3] =	wrdreg s4  }
0xaa: {  	[dreg:$0x4] =	wrdreg $0xC0  }
0xab: {  	_ =	task [dreg:s6], $0x5FFFF  }
0xac: {  	[dreg:$0x1] =	wrdreg $0xFFFFFFFF  }
0xad: {  	[dreg:$0x0] =	wrdreg $0x60  }
0xae: {  	[dreg:$0x2] =	wrdreg s24  }
0xaf: {  	[dreg:$0x3] =	wrdreg $0x29000  }
0xb0: {  	[dreg:$0x4] =	wrdreg $0x9  }
0xb1: {  	_ =	task.clear_ibuf [dreg:s6], $0x5FFFF;
	_ =	strace $0x90000046  }
0xb2: {  	s29 =	simm.s32 $0x9;
	_ =	strace $0x80000048  }
0xb3: {  	_ =	swait.ge [sflag:s29], $0x1  }
0xb4: {  	[sflag:s29] =	ssyncadd.s32 $0xFFFFFFFF  }
0xb5: {  	_ =	strace $0x90000048  }
0xb6: {  	_ =	sfence  }
0xb7: {  	s30 =	sld [smem:$0x0];
	_ =	sdelay $0x2  }
0xb8: {  	s31 =	sshll.u32 s1, $0xD;
	s1 =	sshrl.u32 s1, $0x2  }
0xb9: {  	s3 =	sand.u32 $0x4000, s31;
	s1 =	sadd.s32 s1, s30  }
0xba: {  	s0 =	sor.u32 s3, s0;
	s1 =	sshll.u32 s1, $0x11  }
0xbb: {  	s0 =	sor.u32 s1, s0  }
0xbc: {  	s0 =	sadd.s32 $0x8F2B, s0  }
0xbd: {  	[sflag:s0] =	ssyncadd.remote.s32 $0x1  }
0xbe: {  	_ =	sfence.sel $0xFFFF  }
0xbf: {  	[dreg:$0x0] =	wrdreg $0xFFFFFFFF;
	(pc) =	sbr.abs _section_cstart, $3  }
0xc0: {  	[dreg:$0x1] =	wrdreg $0xFFFFFFFF  }
0xc1: {  	_ =	task.clear_ibuf [dreg:s6], $0x2FFFF;
	_ =	strace $0x9FFFFFFF  }
0xc2: {  	(tm) =	ssettm $0x7FFFFFFF  }
0xc3: {  	_ =	shalt  }
tec
execute0_lowered:
.L_overlay_start_1:
0x0: {  	(tag) =	ssettag $0x1  }
0x1: {  	s5 =	rddreg [dreg:$0x0]  }
0x2: {  	s1 =	rddreg [dreg:$0x1]  }
0x3: {  	s2 =	srdreg.scid;
	s0 =	rddreg [dreg:$0x2];
	s3 =	simm.s32 $0x0  }
0x4: {  	s19 =	simm.s32 $0x100;
	s20 =	simm.s32 $0x3;
	s21 =	simm.s32 $0x80  }
0x5: {  	s22 =	simm.s32 $0x1;
	s23 =	simm.s32 $0x50;
	s8 =	sand.u32 $0x1, s2  }
0x6: {  	s24 =	simm.s32 $0x2;
	s2 =	stileid.u32;
	s6 =	smul.u32 $0x140000, s8  }
0x7: {  	s25 =	simm.s32 $0x0;
	[smem:$0x7FF] =	sst s3;
	s7 =	smul.u32 $0x14000, s2  }
0x8: {  	s4 =	sadd.s32 $0x3A00, s5;
	s9 =	sshll.u32 s2, $0x1;
	s11 =	smul.u32 $0x50000, s2  }
0x9: {  	_ =	strace $0x80000047;
	s29 =	ssub.s32 $0x2, s8;
	s13 =	smul.u32 $0x4EC0, s2  }
0xa: {  	s14 =	smul.u32 $0x2760, s8;
	s9 =	sor.u32 s8, s9;
	s10 =	sshrl.u32 s29, $0x1  }
0xb: {  	s6 =	sadd.s32 s7, s6;
	s9 =	smul.u32 $0x2760, s9;
	s10 =	ssub.s32 s29, s10  }
0xc: {  	s31 =	sshrl.u32 s11, $0x2;
	s17 =	sadd.s32 s14, s13;
	s6 =	sshrl.u32 s6, $0x3  }
0xd: {  	s7 =	sadd.s32 s31, s1;
	s8 =	smax.u32 s10, $0x1;
	s18 =	sadd.s32 $0x50, s17  }
0xe: {  	s17 =	sadd.s32 $0xA0, s17;
	s6 =	sadd.s32 s6, s5;
	s30 =	sshrl.u32 s9, $0x3  }
0xf: {  	s10 =	sadd.s32 $0x2800, s7;
	s11 =	sadd.s32 $0x5000, s7;
	s12 =	sadd.s32 $0x7800, s7  }
0x10: {  	s13 =	sadd.s32 $0xA000, s7;
	s14 =	sadd.s32 $0xC800, s7;
	s15 =	sadd.s32 $0xF000, s7  }
0x11: {  	s16 =	sadd.s32 $0x11800, s7;
	s18 =	sshrl.u32 s18, $0x3;
	s5 =	sadd.s32 s4, s30  }
0x12: {  	v0 =	vimm.f32 $0.0e+00;
	v1 =	vimm.f32 $1.000000000e+00;
	s6 =	sadd.s32 $0xD800, s6;
	s18 =	sadd.s32 s18, s4;
	s9 =	sadd.s32 $0x4E2, s5  }
.LBB2_1:
0x13: {  	[tilespmem:s3], [sflag:$0x1] =	stream.linear.gather [hbm4b:s5+s3], $0x50, $0x38;
	[tilespmem:$0x5100] =	vst v63  }
0x14: {  	s26 =	simm.s32 $0x200;
	s28 =	simm.s32 $0x0  }
.LBB2_2:
0x15: {  	p0 =	sne.s32 s26, $0x9E00;
	[tilespmem:s28+$0x100] =	vst v0;
	s28 =	smov.u32 s26;
	s26 =	sadd.s32 $0x200, s26  }
.Ltmp0:
0x16: {  	(pc) =	sbr.rel @p0 .LBB2_2-.Ltmp0, $2  }
0x17: {  	_ =	sdelay $0x2  }
0x18: {  	s28 =	sshra.s32 s28, $0x2  }
0x19: {  	[tilespmem:s28+$0x100] =	vst v0  }
0x1a: {  	[spmem:s7] =	stream.linear.scatter [tilespmem:s19], [sflag:$0x3], $0x2800, $0x38;
	[tilespmem:$0x5100] =	vst v63  }
0x1b: {  	_ =	swait.ge [sflag:s20], $0x2800  }
0x1c: {  	[sflag:s20] =	ssyncset.done $0x0  }
0x1d: {  	[sflag:s20] =	ssyncadd.s32 $0xFFFFD800  }
0x1e: {  	[spmem:s10] =	stream.linear.scatter [tilespmem:s19], [sflag:$0x3], $0x2800, $0x38;
	[tilespmem:$0x5100] =	vst v63  }
0x1f: {  	_ =	swait.ge [sflag:s20], $0x2800  }
0x20: {  	[sflag:s20] =	ssyncset.done $0x0  }
0x21: {  	[sflag:s20] =	ssyncadd.s32 $0xFFFFD800  }
0x22: {  	[spmem:s11] =	stream.linear.scatter [tilespmem:s19], [sflag:$0x3], $0x2800, $0x38;
	[tilespmem:$0x5100] =	vst v63  }
0x23: {  	_ =	swait.ge [sflag:s20], $0x2800  }
0x24: {  	[sflag:s20] =	ssyncset.done $0x0  }
0x25: {  	[sflag:s20] =	ssyncadd.s32 $0xFFFFD800  }
0x26: {  	[spmem:s12] =	stream.linear.scatter [tilespmem:s19], [sflag:$0x3], $0x2800, $0x38;
	[tilespmem:$0x5100] =	vst v63  }
0x27: {  	_ =	swait.ge [sflag:s20], $0x2800  }
0x28: {  	[sflag:s20] =	ssyncset.done $0x0  }
0x29: {  	[sflag:s20] =	ssyncadd.s32 $0xFFFFD800  }
0x2a: {  	[spmem:s13] =	stream.linear.scatter [tilespmem:s19], [sflag:$0x3], $0x2800, $0x38;
	[tilespmem:$0x5100] =	vst v63  }
0x2b: {  	_ =	swait.ge [sflag:s20], $0x2800  }
0x2c: {  	[sflag:s20] =	ssyncset.done $0x0  }
0x2d: {  	[sflag:s20] =	ssyncadd.s32 $0xFFFFD800  }
0x2e: {  	[spmem:s14] =	stream.linear.scatter [tilespmem:s19], [sflag:$0x3], $0x2800, $0x38;
	[tilespmem:$0x5100] =	vst v63  }
0x2f: {  	_ =	swait.ge [sflag:s20], $0x2800  }
0x30: {  	[sflag:s20] =	ssyncset.done $0x0  }
0x31: {  	[sflag:s20] =	ssyncadd.s32 $0xFFFFD800  }
0x32: {  	[spmem:s15] =	stream.linear.scatter [tilespmem:s19], [sflag:$0x3], $0x2800, $0x38;
	[tilespmem:$0x5100] =	vst v63  }
0x33: {  	_ =	swait.ge [sflag:s20], $0x2800  }
0x34: {  	[sflag:s20] =	ssyncset.done $0x0  }
0x35: {  	[sflag:s20] =	ssyncadd.s32 $0xFFFFD800  }
0x36: {  	[spmem:s16] =	stream.linear.scatter [tilespmem:s19], [sflag:$0x3], $0x2800, $0x38;
	[tilespmem:$0x5100] =	vst v63  }
0x37: {  	_ =	swait.ge [sflag:s20], $0x2800  }
0x38: {  	[sflag:s20] =	ssyncset.done $0x0  }
0x39: {  	s26 =	simm.s32 $0x200;
	s28 =	simm.s32 $0x0;
	[sflag:s20] =	ssyncadd.s32 $0xFFFFD800  }
.LBB2_4:
0x3a: {  	p0 =	sne.s32 s26, $0x9E00;
	[tilespmem:s28+$0x100] =	vst v1;
	s28 =	smov.u32 s26;
	s26 =	sadd.s32 $0x200, s26  }
.Ltmp1:
0x3b: {  	(pc) =	sbr.rel @p0 .LBB2_4-.Ltmp1, $2  }
0x3c: {  	_ =	sdelay $0x2  }
0x3d: {  	s28 =	sshra.s32 s28, $0x2  }
0x3e: {  	[tilespmem:s28+$0x100] =	vst v1  }
0x3f: {  	s26 =	sadd.s32 $0x0, s18;
	[bflag:$0x0] =	sbarrier.arrive $0xFFFF  }
0x40: {  	[tilespmem:s21], [sflag:$0x2] =	stream.linear.gather [hbm4b:s26+s3], $0x50, $0x38;
	[tilespmem:$0x5100] =	vst v63  }
0x41: {  	_ =	swait.ge [sflag:s22], $0x50  }
0x42: {  	[sflag:s22] =	ssyncset.done $0x0  }
0x43: {  	[sflag:s22] =	ssyncadd.s32 $0xFFFFFFB0  }
0x44: {  	[spmem:s1] =	stream.indirect.scatter.add.f32 [tilespmem:s19], [sflag:$0x3], $0x10, s3, s23, $0xb8;
	[tilespmem:$0x5100] =	vst v63  }
0x45: {  	_ =	swait.ge [sflag:s20], $0x500  }
0x46: {  	s31 =	sshrl.u32 s17, $0x3;
	[sflag:s20] =	ssyncset.done $0x0  }
0x47: {  	s26 =	sadd.s32 s4, s31;
	[sflag:s20] =	ssyncadd.s32 $0xFFFFFB00  }
0x48: {  	[tilespmem:s3], [sflag:$0x1] =	stream.linear.gather [hbm4b:s26+s3], $0x50, $0x38;
	[tilespmem:$0x5100] =	vst v63  }
0x49: {  	_ =	swait.ge [sflag:s24], $0x50  }
0x4a: {  	[sflag:s24] =	ssyncset.done $0x0  }
0x4b: {  	[sflag:s24] =	ssyncadd.s32 $0xFFFFFFB0  }
0x4c: {  	[spmem:s1] =	stream.indirect.scatter.add.f32 [tilespmem:s19], [sflag:$0x3], $0x10, s21, s23, $0xb8;
	[tilespmem:$0x5100] =	vst v63  }
0x4d: {  	s28 =	simm.s32 $0x14;
	_ =	swait.ge [sflag:s20], $0x500  }
0x4e: {  	s29 =	simm.s32 $0x28;
	s26 =	sadd.s32 $0xA0, s17;
	[sflag:s20] =	ssyncset.done $0x0  }
.LBB2_6:
0x4f: {  	s30 =	sadd.s32 s28, s18  }
0x50: {  	[sflag:s20] =	ssyncadd.s32 $0xFFFFFB00;
	s28 =	smov.u32 s29;
	s31 =	sadd.s32 $0x14, s29  }
0x51: {  	[tilespmem:s21], [sflag:$0x2] =	stream.linear.gather [hbm4b:s30+s3], $0x50, $0x38;
	[tilespmem:$0x5100] =	vst v63  }
0x52: {  	p0 =	sne.s32 s29, $0x4C4;
	_ =	swait.ge [sflag:s22], $0x50  }
0x53: {  	[sflag:s22] =	ssyncset.done $0x0  }
0x54: {  	[sflag:s22] =	ssyncadd.s32 $0xFFFFFFB0  }
0x55: {  	[spmem:s1] =	stream.indirect.scatter.add.f32 [tilespmem:s19], [sflag:$0x3], $0x10, s3, s23, $0xb8;
	[tilespmem:$0x5100] =	vst v63  }
0x56: {  	_ =	swait.ge [sflag:s20], $0x500  }
0x57: {  	s29 =	sshrl.u32 s26, $0x3;
	[sflag:s20] =	ssyncset.done $0x0  }
0x58: {  	s29 =	sadd.s32 s4, s29;
	[sflag:s20] =	ssyncadd.s32 $0xFFFFFB00  }
0x59: {  	[tilespmem:s3], [sflag:$0x1] =	stream.linear.gather [hbm4b:s29+s3], $0x50, $0x38;
	[tilespmem:$0x5100] =	vst v63  }
0x5a: {  	_ =	swait.ge [sflag:s24], $0x50  }
.Ltmp2:
0x5b: {  	[sflag:s24] =	ssyncset.done $0x0;
	(pc) =	sbr.rel @p0 .LBB2_6-.Ltmp2, $4  }
0x5c: {  	[sflag:s24] =	ssyncadd.s32 $0xFFFFFFB0  }
0x5d: {  	[spmem:s1] =	stream.indirect.scatter.add.f32 [tilespmem:s19], [sflag:$0x3], $0x10, s21, s23, $0xb8;
	[tilespmem:$0x5100] =	vst v63  }
0x5e: {  	_ =	swait.ge [sflag:s20], $0x500  }
0x5f: {  	s26 =	sadd.s32 $0xA0, s26;
	s29 =	smov.u32 s31;
	[sflag:s20] =	ssyncset.done $0x0  }
0x60: {  	s28 =	sadd.s32 s28, s18;
	[sflag:s20] =	ssyncadd.s32 $0xFFFFFB00  }
0x61: {  	[tilespmem:s21], [sflag:$0x2] =	stream.linear.gather [hbm4b:s28+s3], $0x50, $0x38;
	[tilespmem:$0x5100] =	vst v63  }
0x62: {  	_ =	swait.ge [sflag:s22], $0x50  }
0x63: {  	[sflag:s22] =	ssyncset.done $0x0  }
0x64: {  	[sflag:s22] =	ssyncadd.s32 $0xFFFFFFB0  }
0x65: {  	[spmem:s1] =	stream.indirect.scatter.add.f32 [tilespmem:s19], [sflag:$0x3], $0x10, s3, s23, $0xb8;
	[tilespmem:$0x5100] =	vst v63  }
0x66: {  	_ =	swait.ge [sflag:s20], $0x500  }
0x67: {  	s26 =	sshrl.u32 s26, $0x3;
	[sflag:s20] =	ssyncset.done $0x0  }
0x68: {  	s26 =	sadd.s32 s4, s26;
	[sflag:s20] =	ssyncadd.s32 $0xFFFFFB00  }
0x69: {  	[tilespmem:s3], [sflag:$0x1] =	stream.linear.gather [hbm4b:s26+s3], $0x50, $0x38;
	[tilespmem:$0x5100] =	vst v63  }
0x6a: {  	_ =	swait.ge [sflag:s24], $0x50  }
0x6b: {  	[sflag:s24] =	ssyncset.done $0x0  }
0x6c: {  	[sflag:s24] =	ssyncadd.s32 $0xFFFFFFB0  }
0x6d: {  	[spmem:s1] =	stream.indirect.scatter.add.f32 [tilespmem:s19], [sflag:$0x3], $0x10, s21, s23, $0xb8;
	[tilespmem:$0x5100] =	vst v63  }
0x6e: {  	_ =	swait.ge [sflag:s20], $0x500  }
0x6f: {  	[sflag:s20] =	ssyncset.done $0x0  }
0x70: {  	[sflag:s20] =	ssyncadd.s32 $0xFFFFFB00  }
0x71: {  	[tilespmem:s21], [sflag:$0x2] =	stream.linear.gather [hbm4b:s9+s3], $0x50, $0x38;
	[tilespmem:$0x5100] =	vst v63  }
0x72: {  	_ =	swait.ge [sflag:s22], $0x50  }
0x73: {  	[sflag:s22] =	ssyncset.done $0x0  }
0x74: {  	[sflag:s22] =	ssyncadd.s32 $0xFFFFFFB0  }
0x75: {  	[spmem:s1] =	stream.indirect.scatter.add.f32 [tilespmem:s19], [sflag:$0x3], $0x10, s3, s23, $0xb8;
	[tilespmem:$0x5100] =	vst v63  }
0x76: {  	_ =	swait.ge [sflag:s20], $0x500  }
0x77: {  	[sflag:s20] =	ssyncset.done $0x0  }
0x78: {  	[sflag:s20] =	ssyncadd.s32 $0xFFFFFB00  }
0x79: {  	_ =	swait.ge [sflag:s24], $0x50  }
0x7a: {  	[sflag:s24] =	ssyncset.done $0x0  }
0x7b: {  	[sflag:s24] =	ssyncadd.s32 $0xFFFFFFB0  }
0x7c: {  	[spmem:s1] =	stream.indirect.scatter.add.f32 [tilespmem:s19], [sflag:$0x3], $0x10, s21, s23, $0xb8;
	[tilespmem:$0x5100] =	vst v63  }
0x7d: {  	_ =	swait.ge [sflag:s20], $0x500  }
0x7e: {  	s30 =	sshll.u32 s2, $0x6;
	s25 =	sadd.s32 $0x1, s25;
	[sflag:s20] =	ssyncset.done $0x0  }
0x7f: {  	s31 =	sshrl.u32 s7, $0x3;
	p0 =	sne.s32 s25, s8;
	[sflag:s20] =	ssyncadd.s32 $0xFFFFFB00  }
.Ltmp3:
0x80: {  	s26 =	sor.u32 $0x1C03, s30;
	[bflag:$0x0] =	sbarrier.arrive $0xFFFF;
	(pc) =	sbr.rel @p0 .LBB2_1-.Ltmp3, $4  }
0x81: {  	[hbm:s6], [sflag:s26] =	dma.local [spmem:s31], $0x2800  }
0x82: {  	_ =	swait.ge [sflag:s20], $0x2800  }
0x83: {  	[sflag:s20] =	ssyncset.done $0x0  }
0x84: {  	[sflag:s20] =	ssyncadd.s32 $0xFFFFD800  }
0x85: {  	_ =	sfence.sel $0x180000  }
0x86: {  	[bflag:$0x0] =	sbarrier.arrive $0xFFFF  }
0x87: {  	p0 =	sne.s32 s2, $0x0;
	_ =	strace $0x90000047  }
0x88: {  	s0 =	sadd.s32 @!p0 $0x100000, s0;
	[bflag:$0x2] =	sbarrier.arrive $0xFFFF  }
0x89: {  	[sflag:s0] =	ssyncadd.tile.s32 @!p0 $0x1;
	_ =	shalt  }
.Lfunc_end2:
_tile_overlayer_lowered:
.L_overlay_start_2:
0x8a: {  	(tag) =	ssettag $0x2  }
0x8b: {  	s0 =	rddreg [dreg:$0x0];
	s2 =	stileid.u32  }
0x8c: {  	s1 =	rddreg [dreg:$0x1];
	p0 =	sne.s32 s2, $0x0  }
0x8d: {  	s3 =	rddreg [dreg:$0x2];
	[bflag:$0x3] =	sbarrier.arrive $0xFFFF;
	s2 =	simm.s32 @!p0 $0x1C03  }
0x8e: {  	[timem:s3], [sflag:s2] =	dma.local @!p0 [hbm:s0], s1  }
0x8f: {  	s0 =	simm.s32 @!p0 $0x3  }
0x90: {  	_ =	swait.ge @!p0 [sflag:s0], s1  }
0x91: {  	s1 =	ssub.s32 @!p0 $0x0, s1;
	[sflag:s0] =	ssyncset.done @!p0 $0x0  }
0x92: {  	[sflag:s0] =	ssyncadd.s32 @!p0 s1  }
0x93: {  	[bflag:$0x3] =	sbarrier.arrive $0xFFFF  }
0x94: {  	_ =	shalt  }

</sc_bundles>
